<compile_context>
chip_gen: v7x
topology: tpu7x:2x2x1
jax: 0.10.2.dev20260603
libtpu: 0.0.44.dev20260713+nightly
codegen_flags: <defaults>
</compile_context>

<pallas_src>
import functools

import jax
import jax.numpy as jnp
from jax import lax
from jax.experimental import pallas as pl
from jax.experimental.pallas import tpu as pltpu
from jax.experimental.pallas import tpu_sc as plsc

_NUM_CLASSES = 1000
_CTX_LEN = 4
_PROMPT_LEN = _CTX_LEN + 1
_EMB_DIM = 64
_LANES = 16
_VPR = _EMB_DIM // _LANES

_NC = 1
_NS = 16
_NW = _NC * _NS
_CPW = 64


_TPL = 4
_NREP = _CPW // _TPL


def _body(ctx_hbm, emb_hbm, out_hbm, ctx_v, emb_v, tmpl_v, sem_ctx, sem_emb, sem_out):
    wid = lax.axis_index("s") * _NC + lax.axis_index("c")
    base = jnp.minimum(wid * _CPW, _NUM_CLASSES - _CPW)
    cp_ctx = pltpu.async_copy(ctx_hbm, ctx_v, sem_ctx)
    cp_emb = pltpu.async_copy(
        emb_hbm.at[pl.ds(base, _CPW)], emb_v.at[:, 0, :], sem_emb
    )
    cp_ctx.wait()
    regs = [
        ctx_v[j, pl.ds(k * _LANES, _LANES)]
        for j in range(_CTX_LEN)
        for k in range(_VPR)
    ]
    for c in range(_TPL):
        for j in range(_CTX_LEN):
            for k in range(_VPR):
                tmpl_v[c, j, pl.ds(k * _LANES, _LANES)] = regs[j * _VPR + k]
    cp_outs = [
        pltpu.async_copy(
            tmpl_v,
            out_hbm.at[pl.ds(base + r * _TPL, _TPL), pl.ds(0, _CTX_LEN), :],
            sem_out,
        )
        for r in range(_NREP)
    ]
    cp_emb.wait()
    cp_outs.append(
        pltpu.async_copy(
            emb_v, out_hbm.at[pl.ds(base, _CPW), pl.ds(_CTX_LEN, 1), :], sem_out
        )
    )
    for cp in cp_outs:
        cp.wait()


@functools.partial(
    pl.kernel,
    mesh=plsc.VectorSubcoreMesh(core_axis_name="c", subcore_axis_name="s", num_cores=_NC),
    out_type=jax.ShapeDtypeStruct((_NUM_CLASSES, _PROMPT_LEN, _EMB_DIM), jnp.float32),
    scratch_types=[
        pltpu.VMEM((_CTX_LEN, _EMB_DIM), jnp.float32),
        pltpu.VMEM((_CPW, 1, _EMB_DIM), jnp.float32),
        pltpu.VMEM((_TPL, _CTX_LEN, _EMB_DIM), jnp.float32),
        pltpu.SemaphoreType.DMA,
        pltpu.SemaphoreType.DMA,
        pltpu.SemaphoreType.DMA,
    ],
)
def _sc_prompt_head(ctx_hbm, emb_hbm, out_hbm, ctx_v, emb_v, tmpl_v, sem_ctx, sem_emb, sem_out):
    _body(ctx_hbm, emb_hbm, out_hbm, ctx_v, emb_v, tmpl_v, sem_ctx, sem_emb, sem_out)


@jax.jit
def kernel(context, emb_table):
    return _sc_prompt_head(context, emb_table)

# --- scband reference (transcript-rebuilt; emitter-appended) ---
"""Pipeline reference for scband-simple-text-prompt-head-1632087572954 (READ-ONLY COPY).

The authoritative reference and input builder live on the scoring server;
editing this copy changes nothing except your own understanding.
"""

import jax, jax.numpy as jnp
import numpy as np

NUM_CLASSES = 1000
CTX_LEN = 4
EMB_DIM = 64

def setup_inputs(seed: int = 0) -> dict:
    key = jax.random.key(seed)
    k1, k2 = jax.random.split(key)
    context = jax.random.normal(k1, (CTX_LEN, EMB_DIM), dtype=jnp.float32) * 0.02
    emb_table = jax.random.normal(k2, (NUM_CLASSES, EMB_DIM), dtype=jnp.float32)
    return {"context": context, "emb_table": emb_table}

def reference(context, emb_table):
    num_classes = emb_table.shape[0]
    # ctx = self.context.unsqueeze(0).expand(num_classes, -1, -1)
    ctx = jnp.broadcast_to(context[None, :, :], (num_classes, context.shape[0], context.shape[1]))
    # class_ids = torch.arange(num_classes); cls_emb = embedding(class_ids).unsqueeze(1)
    class_ids = jnp.arange(num_classes)
    cls_emb = jnp.take(emb_table, class_ids, axis=0)[:, None, :]
    # prompts = torch.cat([ctx, cls_emb], dim=1)
    prompts = jnp.concatenate([ctx, cls_emb], axis=1)
    return prompts

if __name__ == "__main__":
    import jax
    _d = setup_inputs()
    print(jax.jit(kernel)(*tuple(_d.values())))

</pallas_src>

<mosaic_0001>
#map = affine_map<(d0, d1) -> (0, 0)>
#map1 = affine_map<(d0, d1) -> (0, 0, 0)>
module attributes {stable_mosaic.version = 14 : i64} {
  func.func @_sc_prompt_head(%arg0: i32, %arg1: i32, %arg2: memref<4x64xf32, #tpu.memory_space<hbm>>, %arg3: memref<1000x64xf32, #tpu.memory_space<hbm>>, %arg4: memref<1000x5x64xf32, #tpu.memory_space<hbm>>, %arg5: memref<4x64xf32, #tpu.memory_space<vmem>>, %arg6: memref<64x1x64xf32, #tpu.memory_space<vmem>>, %arg7: memref<4x4x64xf32, #tpu.memory_space<vmem>>, %arg8: memref<!tpu.dma_semaphore, #tpu.memory_space<semaphore_mem>>, %arg9: memref<!tpu.dma_semaphore, #tpu.memory_space<semaphore_mem>>, %arg10: memref<!tpu.dma_semaphore, #tpu.memory_space<semaphore_mem>>) attributes {dimension_semantics = [#tpu.dimension_semantics<core_parallel>, #tpu.dimension_semantics<subcore_parallel>], iteration_bounds = array<i64: 1, 16>, scalar_prefetch = 0 : i64, scratch_operands = 6 : i64, tpu.core_type = #tpu.core_type<sc_vector_subcore>, window_params = [{transform_indices = #map}, {transform_indices = #map}, {transform_indices = #map1}]} {
    %mul3A = arith.constant 1 : i32
    %mul3A_0 = arith.muli %arg1, %mul3A : i32
    %add3A = arith.addi %mul3A_0, %arg0 : i32
    %mul3A_1 = arith.constant 64 : i32
    %mul3A_2 = arith.muli %add3A, %mul3A_1 : i32
    %min3A = arith.constant 936 : i32
    %min3A_3 = arith.minsi %mul3A_2, %min3A : i32
    tpu.enqueue_dma source(%arg2 : memref<4x64xf32, #tpu.memory_space<hbm>>) target(%arg5 : memref<4x64xf32, #tpu.memory_space<vmem>>) target_semaphore(%arg8 : memref<!tpu.dma_semaphore, #tpu.memory_space<semaphore_mem>>)
    %dma_start3A = arith.constant 0 : i32
    %dma_start3A_4 = arith.constant 0 : i32
    %dma_start3A_5 = arith.constant 0 : i32
    %dma_start3A_6 = tpu.memref_slice %arg6[%dma_start3A_4, %dma_start3A, %dma_start3A_5] : memref<64x1x64xf32, #tpu.memory_space<vmem>> -> memref<64x1x64xf32, #tpu.memory_space<vmem>>
    %dma_start3A_7 = tpu.memref_squeeze %dma_start3A_6 : memref<64x1x64xf32, #tpu.memory_space<vmem>> -> memref<64x64xf32, #tpu.memory_space<vmem>>
    %dma_start3A_8 = arith.constant 0 : i32
    %dma_start3A_9 = tpu.memref_slice %arg3[%min3A_3, %dma_start3A_8] : memref<1000x64xf32, #tpu.memory_space<hbm>> -> memref<64x64xf32, #tpu.memory_space<hbm>>
    %dma_start3A_10 = arith.constant 0 : i32
    %dma_start3A_11 = arith.constant 0 : i32
    %dma_start3A_12 = tpu.memref_slice %arg6[%dma_start3A_10, %dma_start3A, %dma_start3A_11] : memref<64x1x64xf32, #tpu.memory_space<vmem>> -> memref<64x1x64xf32, #tpu.memory_space<vmem>>
    %dma_start3A_13 = tpu.memref_squeeze %dma_start3A_12 : memref<64x1x64xf32, #tpu.memory_space<vmem>> -> memref<64x64xf32, #tpu.memory_space<vmem>>
    %dma_start3A_14 = arith.constant 0 : i32
    %dma_start3A_15 = tpu.memref_slice %arg3[%min3A_3, %dma_start3A_14] : memref<1000x64xf32, #tpu.memory_space<hbm>> -> memref<64x64xf32, #tpu.memory_space<hbm>>
    tpu.enqueue_dma source(%dma_start3A_15 : memref<64x64xf32, #tpu.memory_space<hbm>>) target(%dma_start3A_13 : memref<64x64xf32, #tpu.memory_space<vmem>>) target_semaphore(%arg9 : memref<!tpu.dma_semaphore, #tpu.memory_space<semaphore_mem>>)
    tpu.wait_dma2 semaphore(%arg8 : memref<!tpu.dma_semaphore, #tpu.memory_space<semaphore_mem>>) src(%arg2 : memref<4x64xf32, #tpu.memory_space<hbm>>) dst(%arg5 : memref<4x64xf32, #tpu.memory_space<vmem>>)
    %get3A = arith.constant 0 : i32
    %get3A_16 = arith.index_cast %get3A : i32 to index
    %get3A_17 = arith.constant 0 : index
    %get3A_18 = tpu.vector_load %arg5[%get3A_16, %get3A_17] {strides = array<i32>} : memref<4x64xf32, #tpu.memory_space<vmem>>, vector<1x16xf32>,
    %get3A_19 = vector.shape_cast %get3A_18 : vector<1x16xf32> to vector<16xf32>
    %get3A_20 = arith.constant 0 : i32
    %get3A_21 = arith.index_cast %get3A_20 : i32 to index
    %get3A_22 = arith.constant 16 : index
    %get3A_23 = tpu.vector_load %arg5[%get3A_21, %get3A_22] {strides = array<i32>} : memref<4x64xf32, #tpu.memory_space<vmem>>, vector<1x16xf32>,
    %get3A_24 = vector.shape_cast %get3A_23 : vector<1x16xf32> to vector<16xf32>
    %get3A_25 = arith.constant 0 : i32
    %get3A_26 = arith.index_cast %get3A_25 : i32 to index
    %get3A_27 = arith.constant 32 : index
    %get3A_28 = tpu.vector_load %arg5[%get3A_26, %get3A_27] {strides = array<i32>} : memref<4x64xf32, #tpu.memory_space<vmem>>, vector<1x16xf32>,
    %get3A_29 = vector.shape_cast %get3A_28 : vector<1x16xf32> to vector<16xf32>
    %get3A_30 = arith.constant 0 : i32
    %get3A_31 = arith.index_cast %get3A_30 : i32 to index
    %get3A_32 = arith.constant 48 : index
    %get3A_33 = tpu.vector_load %arg5[%get3A_31, %get3A_32] {strides = array<i32>} : memref<4x64xf32, #tpu.memory_space<vmem>>, vector<1x16xf32>,
    %get3A_34 = vector.shape_cast %get3A_33 : vector<1x16xf32> to vector<16xf32>
    %get3A_35 = arith.constant 1 : i32
    %get3A_36 = arith.index_cast %get3A_35 : i32 to index
    %get3A_37 = arith.constant 0 : index
    %get3A_38 = tpu.vector_load %arg5[%get3A_36, %get3A_37] {strides = array<i32>} : memref<4x64xf32, #tpu.memory_space<vmem>>, vector<1x16xf32>,
    %get3A_39 = vector.shape_cast %get3A_38 : vector<1x16xf32> to vector<16xf32>
    %get3A_40 = arith.constant 1 : i32
    %get3A_41 = arith.index_cast %get3A_40 : i32 to index
    %get3A_42 = arith.constant 16 : index
    %get3A_43 = tpu.vector_load %arg5[%get3A_41, %get3A_42] {strides = array<i32>} : memref<4x64xf32, #tpu.memory_space<vmem>>, vector<1x16xf32>,
    %get3A_44 = vector.shape_cast %get3A_43 : vector<1x16xf32> to vector<16xf32>
    %get3A_45 = arith.constant 1 : i32
    %get3A_46 = arith.index_cast %get3A_45 : i32 to index
    %get3A_47 = arith.constant 32 : index
    %get3A_48 = tpu.vector_load %arg5[%get3A_46, %get3A_47] {strides = array<i32>} : memref<4x64xf32, #tpu.memory_space<vmem>>, vector<1x16xf32>,
    %get3A_49 = vector.shape_cast %get3A_48 : vector<1x16xf32> to vector<16xf32>
    %get3A_50 = arith.constant 1 : i32
    %get3A_51 = arith.index_cast %get3A_50 : i32 to index
    %get3A_52 = arith.constant 48 : index
    %get3A_53 = tpu.vector_load %arg5[%get3A_51, %get3A_52] {strides = array<i32>} : memref<4x64xf32, #tpu.memory_space<vmem>>, vector<1x16xf32>,
    %get3A_54 = vector.shape_cast %get3A_53 : vector<1x16xf32> to vector<16xf32>
    %get3A_55 = arith.constant 2 : i32
    %get3A_56 = arith.index_cast %get3A_55 : i32 to index
    %get3A_57 = arith.constant 0 : index
    %get3A_58 = tpu.vector_load %arg5[%get3A_56, %get3A_57] {strides = array<i32>} : memref<4x64xf32, #tpu.memory_space<vmem>>, vector<1x16xf32>,
    %get3A_59 = vector.shape_cast %get3A_58 : vector<1x16xf32> to vector<16xf32>
    %get3A_60 = arith.constant 2 : i32
    %get3A_61 = arith.index_cast %get3A_60 : i32 to index
    %get3A_62 = arith.constant 16 : index
    %get3A_63 = tpu.vector_load %arg5[%get3A_61, %get3A_62] {strides = array<i32>} : memref<4x64xf32, #tpu.memory_space<vmem>>, vector<1x16xf32>,
    %get3A_64 = vector.shape_cast %get3A_63 : vector<1x16xf32> to vector<16xf32>
    %get3A_65 = arith.constant 2 : i32
    %get3A_66 = arith.index_cast %get3A_65 : i32 to index
    %get3A_67 = arith.constant 32 : index
    %get3A_68 = tpu.vector_load %arg5[%get3A_66, %get3A_67] {strides = array<i32>} : memref<4x64xf32, #tpu.memory_space<vmem>>, vector<1x16xf32>,
    %get3A_69 = vector.shape_cast %get3A_68 : vector<1x16xf32> to vector<16xf32>
    %get3A_70 = arith.constant 2 : i32
    %get3A_71 = arith.index_cast %get3A_70 : i32 to index
    %get3A_72 = arith.constant 48 : index
    %get3A_73 = tpu.vector_load %arg5[%get3A_71, %get3A_72] {strides = array<i32>} : memref<4x64xf32, #tpu.memory_space<vmem>>, vector<1x16xf32>,
    %get3A_74 = vector.shape_cast %get3A_73 : vector<1x16xf32> to vector<16xf32>
    %get3A_75 = arith.constant 3 : i32
    %get3A_76 = arith.index_cast %get3A_75 : i32 to index
    %get3A_77 = arith.constant 0 : index
    %get3A_78 = tpu.vector_load %arg5[%get3A_76, %get3A_77] {strides = array<i32>} : memref<4x64xf32, #tpu.memory_space<vmem>>, vector<1x16xf32>,
    %get3A_79 = vector.shape_cast %get3A_78 : vector<1x16xf32> to vector<16xf32>
    %get3A_80 = arith.constant 3 : i32
    %get3A_81 = arith.index_cast %get3A_80 : i32 to index
    %get3A_82 = arith.constant 16 : index
    %get3A_83 = tpu.vector_load %arg5[%get3A_81, %get3A_82] {strides = array<i32>} : memref<4x64xf32, #tpu.memory_space<vmem>>, vector<1x16xf32>,
    %get3A_84 = vector.shape_cast %get3A_83 : vector<1x16xf32> to vector<16xf32>
    %get3A_85 = arith.constant 3 : i32
    %get3A_86 = arith.index_cast %get3A_85 : i32 to index
    %get3A_87 = arith.constant 32 : index
    %get3A_88 = tpu.vector_load %arg5[%get3A_86, %get3A_87] {strides = array<i32>} : memref<4x64xf32, #tpu.memory_space<vmem>>, vector<1x16xf32>,
    %get3A_89 = vector.shape_cast %get3A_88 : vector<1x16xf32> to vector<16xf32>
    %get3A_90 = arith.constant 3 : i32
    %get3A_91 = arith.index_cast %get3A_90 : i32 to index
    %get3A_92 = arith.constant 48 : index
    %get3A_93 = tpu.vector_load %arg5[%get3A_91, %get3A_92] {strides = array<i32>} : memref<4x64xf32, #tpu.memory_space<vmem>>, vector<1x16xf32>,
    %get3A_94 = vector.shape_cast %get3A_93 : vector<1x16xf32> to vector<16xf32>
    %swap3A = arith.constant 0 : i32
    %swap3A_95 = arith.constant 0 : i32
    %swap3A_96 = arith.index_cast %swap3A : i32 to index
    %swap3A_97 = arith.index_cast %swap3A_95 : i32 to index
    %swap3A_98 = arith.constant 0 : index
    %swap3A_99 = tpu.vector_load %arg7[%swap3A_96, %swap3A_97, %swap3A_98] {strides = array<i32>} : memref<4x4x64xf32, #tpu.memory_space<vmem>>, vector<1x1x16xf32>,
    %swap3A_100 = vector.shape_cast %swap3A_99 : vector<1x1x16xf32> to vector<16xf32>
    %swap3A_101 = vector.shape_cast %get3A_19 : vector<16xf32> to vector<1x1x16xf32>
    tpu.vector_store %arg7[%swap3A_96, %swap3A_97, %swap3A_98], %swap3A_101 {strides = array<i32>} : memref<4x4x64xf32, #tpu.memory_space<vmem>>, vector<1x1x16xf32>,
    %swap3A_102 = arith.constant 0 : i32
    %swap3A_103 = arith.constant 0 : i32
    %swap3A_104 = arith.index_cast %swap3A_102 : i32 to index
    %swap3A_105 = arith.index_cast %swap3A_103 : i32 to index
    %swap3A_106 = arith.constant 16 : index
    %swap3A_107 = tpu.vector_load %arg7[%swap3A_104, %swap3A_105, %swap3A_106] {strides = array<i32>} : memref<4x4x64xf32, #tpu.memory_space<vmem>>, vector<1x1x16xf32>,
    %swap3A_108 = vector.shape_cast %swap3A_107 : vector<1x1x16xf32> to vector<16xf32>
    %swap3A_109 = vector.shape_cast %get3A_24 : vector<16xf32> to vector<1x1x16xf32>
    tpu.vector_store %arg7[%swap3A_104, %swap3A_105, %swap3A_106], %swap3A_109 {strides = array<i32>} : memref<4x4x64xf32, #tpu.memory_space<vmem>>, vector<1x1x16xf32>,
    %swap3A_110 = arith.constant 0 : i32
    %swap3A_111 = arith.constant 0 : i32
    %swap3A_112 = arith.index_cast %swap3A_110 : i32 to index
    %swap3A_113 = arith.index_cast %swap3A_111 : i32 to index
    %swap3A_114 = arith.constant 32 : index
    %swap3A_115 = tpu.vector_load %arg7[%swap3A_112, %swap3A_113, %swap3A_114] {strides = array<i32>} : memref<4x4x64xf32, #tpu.memory_space<vmem>>, vector<1x1x16xf32>,
    %swap3A_116 = vector.shape_cast %swap3A_115 : vector<1x1x16xf32> to vector<16xf32>
    %swap3A_117 = vector.shape_cast %get3A_29 : vector<16xf32> to vector<1x1x16xf32>
    tpu.vector_store %arg7[%swap3A_112, %swap3A_113, %swap3A_114], %swap3A_117 {strides = array<i32>} : memref<4x4x64xf32, #tpu.memory_space<vmem>>, vector<1x1x16xf32>,
    %swap3A_118 = arith.constant 0 : i32
    %swap3A_119 = arith.constant 0 : i32
    %swap3A_120 = arith.index_cast %swap3A_118 : i32 to index
    %swap3A_121 = arith.index_cast %swap3A_119 : i32 to index
    %swap3A_122 = arith.constant 48 : index
    %swap3A_123 = tpu.vector_load %arg7[%swap3A_120, %swap3A_121, %swap3A_122] {strides = array<i32>} : memref<4x4x64xf32, #tpu.memory_space<vmem>>, vector<1x1x16xf32>,
    %swap3A_124 = vector.shape_cast %swap3A_123 : vector<1x1x16xf32> to vector<16xf32>
    %swap3A_125 = vector.shape_cast %get3A_34 : vector<16xf32> to vector<1x1x16xf32>
    tpu.vector_store %arg7[%swap3A_120, %swap3A_121, %swap3A_122], %swap3A_125 {strides = array<i32>} : memref<4x4x64xf32, #tpu.memory_space<vmem>>, vector<1x1x16xf32>,
    %swap3A_126 = arith.constant 0 : i32
    %swap3A_127 = arith.constant 1 : i32
    %swap3A_128 = arith.index_cast %swap3A_126 : i32 to index
    %swap3A_129 = arith.index_cast %swap3A_127 : i32 to index
    %swap3A_130 = arith.constant 0 : index
    %swap3A_131 = tpu.vector_load %arg7[%swap3A_128, %swap3A_129, %swap3A_130] {strides = array<i32>} : memref<4x4x64xf32, #tpu.memory_space<vmem>>, vector<1x1x16xf32>,
    %swap3A_132 = vector.shape_cast %swap3A_131 : vector<1x1x16xf32> to vector<16xf32>
    %swap3A_133 = vector.shape_cast %get3A_39 : vector<16xf32> to vector<1x1x16xf32>
    tpu.vector_store %arg7[%swap3A_128, %swap3A_129, %swap3A_130], %swap3A_133 {strides = array<i32>} : memref<4x4x64xf32, #tpu.memory_space<vmem>>, vector<1x1x16xf32>,
    %swap3A_134 = arith.constant 0 : i32
    %swap3A_135 = arith.constant 1 : i32
    %swap3A_136 = arith.index_cast %swap3A_134 : i32 to index
    %swap3A_137 = arith.index_cast %swap3A_135 : i32 to index
    %swap3A_138 = arith.constant 16 : index
    %swap3A_139 = tpu.vector_load %arg7[%swap3A_136, %swap3A_137, %swap3A_138] {strides = array<i32>} : memref<4x4x64xf32, #tpu.memory_space<vmem>>, vector<1x1x16xf32>,
    %swap3A_140 = vector.shape_cast %swap3A_139 : vector<1x1x16xf32> to vector<16xf32>
    %swap3A_141 = vector.shape_cast %get3A_44 : vector<16xf32> to vector<1x1x16xf32>
    tpu.vector_store %arg7[%swap3A_136, %swap3A_137, %swap3A_138], %swap3A_141 {strides = array<i32>} : memref<4x4x64xf32, #tpu.memory_space<vmem>>, vector<1x1x16xf32>,
    %swap3A_142 = arith.constant 0 : i32
    %swap3A_143 = arith.constant 1 : i32
    %swap3A_144 = arith.index_cast %swap3A_142 : i32 to index
    %swap3A_145 = arith.index_cast %swap3A_143 : i32 to index
    %swap3A_146 = arith.constant 32 : index
    %swap3A_147 = tpu.vector_load %arg7[%swap3A_144, %swap3A_145, %swap3A_146] {strides = array<i32>} : memref<4x4x64xf32, #tpu.memory_space<vmem>>, vector<1x1x16xf32>,
    %swap3A_148 = vector.shape_cast %swap3A_147 : vector<1x1x16xf32> to vector<16xf32>
    %swap3A_149 = vector.shape_cast %get3A_49 : vector<16xf32> to vector<1x1x16xf32>
    tpu.vector_store %arg7[%swap3A_144, %swap3A_145, %swap3A_146], %swap3A_149 {strides = array<i32>} : memref<4x4x64xf32, #tpu.memory_space<vmem>>, vector<1x1x16xf32>,
    %swap3A_150 = arith.constant 0 : i32
    %swap3A_151 = arith.constant 1 : i32
    %swap3A_152 = arith.index_cast %swap3A_150 : i32 to index
    %swap3A_153 = arith.index_cast %swap3A_151 : i32 to index
    %swap3A_154 = arith.constant 48 : index
    %swap3A_155 = tpu.vector_load %arg7[%swap3A_152, %swap3A_153, %swap3A_154] {strides = array<i32>} : memref<4x4x64xf32, #tpu.memory_space<vmem>>, vector<1x1x16xf32>,
    %swap3A_156 = vector.shape_cast %swap3A_155 : vector<1x1x16xf32> to vector<16xf32>
    %swap3A_157 = vector.shape_cast %get3A_54 : vector<16xf32> to vector<1x1x16xf32>
    tpu.vector_store %arg7[%swap3A_152, %swap3A_153, %swap3A_154], %swap3A_157 {strides = array<i32>} : memref<4x4x64xf32, #tpu.memory_space<vmem>>, vector<1x1x16xf32>,
    %swap3A_158 = arith.constant 0 : i32
    %swap3A_159 = arith.constant 2 : i32
    %swap3A_160 = arith.index_cast %swap3A_158 : i32 to index
    %swap3A_161 = arith.index_cast %swap3A_159 : i32 to index
    %swap3A_162 = arith.constant 0 : index
    %swap3A_163 = tpu.vector_load %arg7[%swap3A_160, %swap3A_161, %swap3A_162] {strides = array<i32>} : memref<4x4x64xf32, #tpu.memory_space<vmem>>, vector<1x1x16xf32>,
    %swap3A_164 = vector.shape_cast %swap3A_163 : vector<1x1x16xf32> to vector<16xf32>
    %swap3A_165 = vector.shape_cast %get3A_59 : vector<16xf32> to vector<1x1x16xf32>
    tpu.vector_store %arg7[%swap3A_160, %swap3A_161, %swap3A_162], %swap3A_165 {strides = array<i32>} : memref<4x4x64xf32, #tpu.memory_space<vmem>>, vector<1x1x16xf32>,
    %swap3A_166 = arith.constant 0 : i32
    %swap3A_167 = arith.constant 2 : i32
    %swap3A_168 = arith.index_cast %swap3A_166 : i32 to index
    %swap3A_169 = arith.index_cast %swap3A_167 : i32 to index
    %swap3A_170 = arith.constant 16 : index
    %swap3A_171 = tpu.vector_load %arg7[%swap3A_168, %swap3A_169, %swap3A_170] {strides = array<i32>} : memref<4x4x64xf32, #tpu.memory_space<vmem>>, vector<1x1x16xf32>,
    %swap3A_172 = vector.shape_cast %swap3A_171 : vector<1x1x16xf32> to vector<16xf32>
    %swap3A_173 = vector.shape_cast %get3A_64 : vector<16xf32> to vector<1x1x16xf32>
    tpu.vector_store %arg7[%swap3A_168, %swap3A_169, %swap3A_170], %swap3A_173 {strides = array<i32>} : memref<4x4x64xf32, #tpu.memory_space<vmem>>, vector<1x1x16xf32>,
    %swap3A_174 = arith.constant 0 : i32
    %swap3A_175 = arith.constant 2 : i32
    %swap3A_176 = arith.index_cast %swap3A_174 : i32 to index
    %swap3A_177 = arith.index_cast %swap3A_175 : i32 to index
    %swap3A_178 = arith.constant 32 : index
    %swap3A_179 = tpu.vector_load %arg7[%swap3A_176, %swap3A_177, %swap3A_178] {strides = array<i32>} : memref<4x4x64xf32, #tpu.memory_space<vmem>>, vector<1x1x16xf32>,
    %swap3A_180 = vector.shape_cast %swap3A_179 : vector<1x1x16xf32> to vector<16xf32>
    %swap3A_181 = vector.shape_cast %get3A_69 : vector<16xf32> to vector<1x1x16xf32>
    tpu.vector_store %arg7[%swap3A_176, %swap3A_177, %swap3A_178], %swap3A_181 {strides = array<i32>} : memref<4x4x64xf32, #tpu.memory_space<vmem>>, vector<1x1x16xf32>,
    %swap3A_182 = arith.constant 0 : i32
    %swap3A_183 = arith.constant 2 : i32
    %swap3A_184 = arith.index_cast %swap3A_182 : i32 to index
    %swap3A_185 = arith.index_cast %swap3A_183 : i32 to index
    %swap3A_186 = arith.constant 48 : index
    %swap3A_187 = tpu.vector_load %arg7[%swap3A_184, %swap3A_185, %swap3A_186] {strides = array<i32>} : memref<4x4x64xf32, #tpu.memory_space<vmem>>, vector<1x1x16xf32>,
    %swap3A_188 = vector.shape_cast %swap3A_187 : vector<1x1x16xf32> to vector<16xf32>
    %swap3A_189 = vector.shape_cast %get3A_74 : vector<16xf32> to vector<1x1x16xf32>
    tpu.vector_store %arg7[%swap3A_184, %swap3A_185, %swap3A_186], %swap3A_189 {strides = array<i32>} : memref<4x4x64xf32, #tpu.memory_space<vmem>>, vector<1x1x16xf32>,
    %swap3A_190 = arith.constant 0 : i32
    %swap3A_191 = arith.constant 3 : i32
    %swap3A_192 = arith.index_cast %swap3A_190 : i32 to index
    %swap3A_193 = arith.index_cast %swap3A_191 : i32 to index
    %swap3A_194 = arith.constant 0 : index
    %swap3A_195 = tpu.vector_load %arg7[%swap3A_192, %swap3A_193, %swap3A_194] {strides = array<i32>} : memref<4x4x64xf32, #tpu.memory_space<vmem>>, vector<1x1x16xf32>,
    %swap3A_196 = vector.shape_cast %swap3A_195 : vector<1x1x16xf32> to vector<16xf32>
    %swap3A_197 = vector.shape_cast %get3A_79 : vector<16xf32> to vector<1x1x16xf32>
    tpu.vector_store %arg7[%swap3A_192, %swap3A_193, %swap3A_194], %swap3A_197 {strides = array<i32>} : memref<4x4x64xf32, #tpu.memory_space<vmem>>, vector<1x1x16xf32>,
    %swap3A_198 = arith.constant 0 : i32
    %swap3A_199 = arith.constant 3 : i32
    %swap3A_200 = arith.index_cast %swap3A_198 : i32 to index
    %swap3A_201 = arith.index_cast %swap3A_199 : i32 to index
    %swap3A_202 = arith.constant 16 : index
    %swap3A_203 = tpu.vector_load %arg7[%swap3A_200, %swap3A_201, %swap3A_202] {strides = array<i32>} : memref<4x4x64xf32, #tpu.memory_space<vmem>>, vector<1x1x16xf32>,
    %swap3A_204 = vector.shape_cast %swap3A_203 : vector<1x1x16xf32> to vector<16xf32>
    %swap3A_205 = vector.shape_cast %get3A_84 : vector<16xf32> to vector<1x1x16xf32>
    tpu.vector_store %arg7[%swap3A_200, %swap3A_201, %swap3A_202], %swap3A_205 {strides = array<i32>} : memref<4x4x64xf32, #tpu.memory_space<vmem>>, vector<1x1x16xf32>,
    %swap3A_206 = arith.constant 0 : i32
    %swap3A_207 = arith.constant 3 : i32
    %swap3A_208 = arith.index_cast %swap3A_206 : i32 to index
    %swap3A_209 = arith.index_cast %swap3A_207 : i32 to index
    %swap3A_210 = arith.constant 32 : index
    %swap3A_211 = tpu.vector_load %arg7[%swap3A_208, %swap3A_209, %swap3A_210] {strides = array<i32>} : memref<4x4x64xf32, #tpu.memory_space<vmem>>, vector<1x1x16xf32>,
    %swap3A_212 = vector.shape_cast %swap3A_211 : vector<1x1x16xf32> to vector<16xf32>
    %swap3A_213 = vector.shape_cast %get3A_89 : vector<16xf32> to vector<1x1x16xf32>
    tpu.vector_store %arg7[%swap3A_208, %swap3A_209, %swap3A_210], %swap3A_213 {strides = array<i32>} : memref<4x4x64xf32, #tpu.memory_space<vmem>>, vector<1x1x16xf32>,
    %swap3A_214 = arith.constant 0 : i32
    %swap3A_215 = arith.constant 3 : i32
    %swap3A_216 = arith.index_cast %swap3A_214 : i32 to index
    %swap3A_217 = arith.index_cast %swap3A_215 : i32 to index
    %swap3A_218 = arith.constant 48 : index
    %swap3A_219 = tpu.vector_load %arg7[%swap3A_216, %swap3A_217, %swap3A_218] {strides = array<i32>} : memref<4x4x64xf32, #tpu.memory_space<vmem>>, vector<1x1x16xf32>,
    %swap3A_220 = vector.shape_cast %swap3A_219 : vector<1x1x16xf32> to vector<16xf32>
    %swap3A_221 = vector.shape_cast %get3A_94 : vector<16xf32> to vector<1x1x16xf32>
    tpu.vector_store %arg7[%swap3A_216, %swap3A_217, %swap3A_218], %swap3A_221 {strides = array<i32>} : memref<4x4x64xf32, #tpu.memory_space<vmem>>, vector<1x1x16xf32>,
    %swap3A_222 = arith.constant 1 : i32
    %swap3A_223 = arith.constant 0 : i32
    %swap3A_224 = arith.index_cast %swap3A_222 : i32 to index
    %swap3A_225 = arith.index_cast %swap3A_223 : i32 to index
    %swap3A_226 = arith.constant 0 : index
    %swap3A_227 = tpu.vector_load %arg7[%swap3A_224, %swap3A_225, %swap3A_226] {strides = array<i32>} : memref<4x4x64xf32, #tpu.memory_space<vmem>>, vector<1x1x16xf32>,
    %swap3A_228 = vector.shape_cast %swap3A_227 : vector<1x1x16xf32> to vector<16xf32>
    %swap3A_229 = vector.shape_cast %get3A_19 : vector<16xf32> to vector<1x1x16xf32>
    tpu.vector_store %arg7[%swap3A_224, %swap3A_225, %swap3A_226], %swap3A_229 {strides = array<i32>} : memref<4x4x64xf32, #tpu.memory_space<vmem>>, vector<1x1x16xf32>,
    %swap3A_230 = arith.constant 1 : i32
    %swap3A_231 = arith.constant 0 : i32
    %swap3A_232 = arith.index_cast %swap3A_230 : i32 to index
    %swap3A_233 = arith.index_cast %swap3A_231 : i32 to index
    %swap3A_234 = arith.constant 16 : index
    %swap3A_235 = tpu.vector_load %arg7[%swap3A_232, %swap3A_233, %swap3A_234] {strides = array<i32>} : memref<4x4x64xf32, #tpu.memory_space<vmem>>, vector<1x1x16xf32>,
    %swap3A_236 = vector.shape_cast %swap3A_235 : vector<1x1x16xf32> to vector<16xf32>
    %swap3A_237 = vector.shape_cast %get3A_24 : vector<16xf32> to vector<1x1x16xf32>
    tpu.vector_store %arg7[%swap3A_232, %swap3A_233, %swap3A_234], %swap3A_237 {strides = array<i32>} : memref<4x4x64xf32, #tpu.memory_space<vmem>>, vector<1x1x16xf32>,
    %swap3A_238 = arith.constant 1 : i32
    %swap3A_239 = arith.constant 0 : i32
    %swap3A_240 = arith.index_cast %swap3A_238 : i32 to index
    %swap3A_241 = arith.index_cast %swap3A_239 : i32 to index
    %swap3A_242 = arith.constant 32 : index
    %swap3A_243 = tpu.vector_load %arg7[%swap3A_240, %swap3A_241, %swap3A_242] {strides = array<i32>} : memref<4x4x64xf32, #tpu.memory_space<vmem>>, vector<1x1x16xf32>,
    %swap3A_244 = vector.shape_cast %swap3A_243 : vector<1x1x16xf32> to vector<16xf32>
    %swap3A_245 = vector.shape_cast %get3A_29 : vector<16xf32> to vector<1x1x16xf32>
    tpu.vector_store %arg7[%swap3A_240, %swap3A_241, %swap3A_242], %swap3A_245 {strides = array<i32>} : memref<4x4x64xf32, #tpu.memory_space<vmem>>, vector<1x1x16xf32>,
    %swap3A_246 = arith.constant 1 : i32
    %swap3A_247 = arith.constant 0 : i32
    %swap3A_248 = arith.index_cast %swap3A_246 : i32 to index
    %swap3A_249 = arith.index_cast %swap3A_247 : i32 to index
    %swap3A_250 = arith.constant 48 : index
    %swap3A_251 = tpu.vector_load %arg7[%swap3A_248, %swap3A_249, %swap3A_250] {strides = array<i32>} : memref<4x4x64xf32, #tpu.memory_space<vmem>>, vector<1x1x16xf32>,
    %swap3A_252 = vector.shape_cast %swap3A_251 : vector<1x1x16xf32> to vector<16xf32>
    %swap3A_253 = vector.shape_cast %get3A_34 : vector<16xf32> to vector<1x1x16xf32>
    tpu.vector_store %arg7[%swap3A_248, %swap3A_249, %swap3A_250], %swap3A_253 {strides = array<i32>} : memref<4x4x64xf32, #tpu.memory_space<vmem>>, vector<1x1x16xf32>,
    %swap3A_254 = arith.constant 1 : i32
    %swap3A_255 = arith.constant 1 : i32
    %swap3A_256 = arith.index_cast %swap3A_254 : i32 to index
    %swap3A_257 = arith.index_cast %swap3A_255 : i32 to index
    %swap3A_258 = arith.constant 0 : index
    %swap3A_259 = tpu.vector_load %arg7[%swap3A_256, %swap3A_257, %swap3A_258] {strides = array<i32>} : memref<4x4x64xf32, #tpu.memory_space<vmem>>, vector<1x1x16xf32>,
    %swap3A_260 = vector.shape_cast %swap3A_259 : vector<1x1x16xf32> to vector<16xf32>
    %swap3A_261 = vector.shape_cast %get3A_39 : vector<16xf32> to vector<1x1x16xf32>
    tpu.vector_store %arg7[%swap3A_256, %swap3A_257, %swap3A_258], %swap3A_261 {strides = array<i32>} : memref<4x4x64xf32, #tpu.memory_space<vmem>>, vector<1x1x16xf32>,
    %swap3A_262 = arith.constant 1 : i32
    %swap3A_263 = arith.constant 1 : i32
    %swap3A_264 = arith.index_cast %swap3A_262 : i32 to index
    %swap3A_265 = arith.index_cast %swap3A_263 : i32 to index
    %swap3A_266 = arith.constant 16 : index
    %swap3A_267 = tpu.vector_load %arg7[%swap3A_264, %swap3A_265, %swap3A_266] {strides = array<i32>} : memref<4x4x64xf32, #tpu.memory_space<vmem>>, vector<1x1x16xf32>,
    %swap3A_268 = vector.shape_cast %swap3A_267 : vector<1x1x16xf32> to vector<16xf32>
    %swap3A_269 = vector.shape_cast %get3A_44 : vector<16xf32> to vector<1x1x16xf32>
    tpu.vector_store %arg7[%swap3A_264, %swap3A_265, %swap3A_266], %swap3A_269 {strides = array<i32>} : memref<4x4x64xf32, #tpu.memory_space<vmem>>, vector<1x1x16xf32>,
    %swap3A_270 = arith.constant 1 : i32
    %swap3A_271 = arith.constant 1 : i32
    %swap3A_272 = arith.index_cast %swap3A_270 : i32 to index
    %swap3A_273 = arith.index_cast %swap3A_271 : i32 to index
    %swap3A_274 = arith.constant 32 : index
    %swap3A_275 = tpu.vector_load %arg7[%swap3A_272, %swap3A_273, %swap3A_274] {strides = array<i32>} : memref<4x4x64xf32, #tpu.memory_space<vmem>>, vector<1x1x16xf32>,
    %swap3A_276 = vector.shape_cast %swap3A_275 : vector<1x1x16xf32> to vector<16xf32>
    %swap3A_277 = vector.shape_cast %get3A_49 : vector<16xf32> to vector<1x1x16xf32>
    tpu.vector_store %arg7[%swap3A_272, %swap3A_273, %swap3A_274], %swap3A_277 {strides = array<i32>} : memref<4x4x64xf32, #tpu.memory_space<vmem>>, vector<1x1x16xf32>,
    %swap3A_278 = arith.constant 1 : i32
    %swap3A_279 = arith.constant 1 : i32
    %swap3A_280 = arith.index_cast %swap3A_278 : i32 to index
    %swap3A_281 = arith.index_cast %swap3A_279 : i32 to index
    %swap3A_282 = arith.constant 48 : index
    %swap3A_283 = tpu.vector_load %arg7[%swap3A_280, %swap3A_281, %swap3A_282] {strides = array<i32>} : memref<4x4x64xf32, #tpu.memory_space<vmem>>, vector<1x1x16xf32>,
    %swap3A_284 = vector.shape_cast %swap3A_283 : vector<1x1x16xf32> to vector<16xf32>
    %swap3A_285 = vector.shape_cast %get3A_54 : vector<16xf32> to vector<1x1x16xf32>
    tpu.vector_store %arg7[%swap3A_280, %swap3A_281, %swap3A_282], %swap3A_285 {strides = array<i32>} : memref<4x4x64xf32, #tpu.memory_space<vmem>>, vector<1x1x16xf32>,
    %swap3A_286 = arith.constant 1 : i32
    %swap3A_287 = arith.constant 2 : i32
    %swap3A_288 = arith.index_cast %swap3A_286 : i32 to index
    %swap3A_289 = arith.index_cast %swap3A_287 : i32 to index
    %swap3A_290 = arith.constant 0 : index
    %swap3A_291 = tpu.vector_load %arg7[%swap3A_288, %swap3A_289, %swap3A_290] {strides = array<i32>} : memref<4x4x64xf32, #tpu.memory_space<vmem>>, vector<1x1x16xf32>,
    %swap3A_292 = vector.shape_cast %swap3A_291 : vector<1x1x16xf32> to vector<16xf32>
    %swap3A_293 = vector.shape_cast %get3A_59 : vector<16xf32> to vector<1x1x16xf32>
    tpu.vector_store %arg7[%swap3A_288, %swap3A_289, %swap3A_290], %swap3A_293 {strides = array<i32>} : memref<4x4x64xf32, #tpu.memory_space<vmem>>, vector<1x1x16xf32>,
    %swap3A_294 = arith.constant 1 : i32
    %swap3A_295 = arith.constant 2 : i32
    %swap3A_296 = arith.index_cast %swap3A_294 : i32 to index
    %swap3A_297 = arith.index_cast %swap3A_295 : i32 to index
    %swap3A_298 = arith.constant 16 : index
    %swap3A_299 = tpu.vector_load %arg7[%swap3A_296, %swap3A_297, %swap3A_298] {strides = array<i32>} : memref<4x4x64xf32, #tpu.memory_space<vmem>>, vector<1x1x16xf32>,
    %swap3A_300 = vector.shape_cast %swap3A_299 : vector<1x1x16xf32> to vector<16xf32>
    %swap3A_301 = vector.shape_cast %get3A_64 : vector<16xf32> to vector<1x1x16xf32>
    tpu.vector_store %arg7[%swap3A_296, %swap3A_297, %swap3A_298], %swap3A_301 {strides = array<i32>} : memref<4x4x64xf32, #tpu.memory_space<vmem>>, vector<1x1x16xf32>,
    %swap3A_302 = arith.constant 1 : i32
    %swap3A_303 = arith.constant 2 : i32
    %swap3A_304 = arith.index_cast %swap3A_302 : i32 to index
    %swap3A_305 = arith.index_cast %swap3A_303 : i32 to index
    %swap3A_306 = arith.constant 32 : index
    %swap3A_307 = tpu.vector_load %arg7[%swap3A_304, %swap3A_305, %swap3A_306] {strides = array<i32>} : memref<4x4x64xf32, #tpu.memory_space<vmem>>, vector<1x1x16xf32>,
    %swap3A_308 = vector.shape_cast %swap3A_307 : vector<1x1x16xf32> to vector<16xf32>
    %swap3A_309 = vector.shape_cast %get3A_69 : vector<16xf32> to vector<1x1x16xf32>
    tpu.vector_store %arg7[%swap3A_304, %swap3A_305, %swap3A_306], %swap3A_309 {strides = array<i32>} : memref<4x4x64xf32, #tpu.memory_space<vmem>>, vector<1x1x16xf32>,
    %swap3A_310 = arith.constant 1 : i32
    %swap3A_311 = arith.constant 2 : i32
    %swap3A_312 = arith.index_cast %swap3A_310 : i32 to index
    %swap3A_313 = arith.index_cast %swap3A_311 : i32 to index
    %swap3A_314 = arith.constant 48 : index
    %swap3A_315 = tpu.vector_load %arg7[%swap3A_312, %swap3A_313, %swap3A_314] {strides = array<i32>} : memref<4x4x64xf32, #tpu.memory_space<vmem>>, vector<1x1x16xf32>,
    %swap3A_316 = vector.shape_cast %swap3A_315 : vector<1x1x16xf32> to vector<16xf32>
    %swap3A_317 = vector.shape_cast %get3A_74 : vector<16xf32> to vector<1x1x16xf32>
    tpu.vector_store %arg7[%swap3A_312, %swap3A_313, %swap3A_314], %swap3A_317 {strides = array<i32>} : memref<4x4x64xf32, #tpu.memory_space<vmem>>, vector<1x1x16xf32>,
    %swap3A_318 = arith.constant 1 : i32
    %swap3A_319 = arith.constant 3 : i32
    %swap3A_320 = arith.index_cast %swap3A_318 : i32 to index
    %swap3A_321 = arith.index_cast %swap3A_319 : i32 to index
    %swap3A_322 = arith.constant 0 : index
    %swap3A_323 = tpu.vector_load %arg7[%swap3A_320, %swap3A_321, %swap3A_322] {strides = array<i32>} : memref<4x4x64xf32, #tpu.memory_space<vmem>>, vector<1x1x16xf32>,
    %swap3A_324 = vector.shape_cast %swap3A_323 : vector<1x1x16xf32> to vector<16xf32>
    %swap3A_325 = vector.shape_cast %get3A_79 : vector<16xf32> to vector<1x1x16xf32>
    tpu.vector_store %arg7[%swap3A_320, %swap3A_321, %swap3A_322], %swap3A_325 {strides = array<i32>} : memref<4x4x64xf32, #tpu.memory_space<vmem>>, vector<1x1x16xf32>,
    %swap3A_326 = arith.constant 1 : i32
    %swap3A_327 = arith.constant 3 : i32
    %swap3A_328 = arith.index_cast %swap3A_326 : i32 to index
    %swap3A_329 = arith.index_cast %swap3A_327 : i32 to index
    %swap3A_330 = arith.constant 16 : index
    %swap3A_331 = tpu.vector_load %arg7[%swap3A_328, %swap3A_329, %swap3A_330] {strides = array<i32>} : memref<4x4x64xf32, #tpu.memory_space<vmem>>, vector<1x1x16xf32>,
    %swap3A_332 = vector.shape_cast %swap3A_331 : vector<1x1x16xf32> to vector<16xf32>
    %swap3A_333 = vector.shape_cast %get3A_84 : vector<16xf32> to vector<1x1x16xf32>
    tpu.vector_store %arg7[%swap3A_328, %swap3A_329, %swap3A_330], %swap3A_333 {strides = array<i32>} : memref<4x4x64xf32, #tpu.memory_space<vmem>>, vector<1x1x16xf32>,
    %swap3A_334 = arith.constant 1 : i32
    %swap3A_335 = arith.constant 3 : i32
    %swap3A_336 = arith.index_cast %swap3A_334 : i32 to index
    %swap3A_337 = arith.index_cast %swap3A_335 : i32 to index
    %swap3A_338 = arith.constant 32 : index
    %swap3A_339 = tpu.vector_load %arg7[%swap3A_336, %swap3A_337, %swap3A_338] {strides = array<i32>} : memref<4x4x64xf32, #tpu.memory_space<vmem>>, vector<1x1x16xf32>,
    %swap3A_340 = vector.shape_cast %swap3A_339 : vector<1x1x16xf32> to vector<16xf32>
    %swap3A_341 = vector.shape_cast %get3A_89 : vector<16xf32> to vector<1x1x16xf32>
    tpu.vector_store %arg7[%swap3A_336, %swap3A_337, %swap3A_338], %swap3A_341 {strides = array<i32>} : memref<4x4x64xf32, #tpu.memory_space<vmem>>, vector<1x1x16xf32>,
    %swap3A_342 = arith.constant 1 : i32
    %swap3A_343 = arith.constant 3 : i32
    %swap3A_344 = arith.index_cast %swap3A_342 : i32 to index
    %swap3A_345 = arith.index_cast %swap3A_343 : i32 to index
    %swap3A_346 = arith.constant 48 : index
    %swap3A_347 = tpu.vector_load %arg7[%swap3A_344, %swap3A_345, %swap3A_346] {strides = array<i32>} : memref<4x4x64xf32, #tpu.memory_space<vmem>>, vector<1x1x16xf32>,
    %swap3A_348 = vector.shape_cast %swap3A_347 : vector<1x1x16xf32> to vector<16xf32>
    %swap3A_349 = vector.shape_cast %get3A_94 : vector<16xf32> to vector<1x1x16xf32>
    tpu.vector_store %arg7[%swap3A_344, %swap3A_345, %swap3A_346], %swap3A_349 {strides = array<i32>} : memref<4x4x64xf32, #tpu.memory_space<vmem>>, vector<1x1x16xf32>,
    %swap3A_350 = arith.constant 2 : i32
    %swap3A_351 = arith.constant 0 : i32
    %swap3A_352 = arith.index_cast %swap3A_350 : i32 to index
    %swap3A_353 = arith.index_cast %swap3A_351 : i32 to index
    %swap3A_354 = arith.constant 0 : index
    %swap3A_355 = tpu.vector_load %arg7[%swap3A_352, %swap3A_353, %swap3A_354] {strides = array<i32>} : memref<4x4x64xf32, #tpu.memory_space<vmem>>, vector<1x1x16xf32>,
    %swap3A_356 = vector.shape_cast %swap3A_355 : vector<1x1x16xf32> to vector<16xf32>
    %swap3A_357 = vector.shape_cast %get3A_19 : vector<16xf32> to vector<1x1x16xf32>
    tpu.vector_store %arg7[%swap3A_352, %swap3A_353, %swap3A_354], %swap3A_357 {strides = array<i32>} : memref<4x4x64xf32, #tpu.memory_space<vmem>>, vector<1x1x16xf32>,
    %swap3A_358 = arith.constant 2 : i32
    %swap3A_359 = arith.constant 0 : i32
    %swap3A_360 = arith.index_cast %swap3A_358 : i32 to index
    %swap3A_361 = arith.index_cast %swap3A_359 : i32 to index
    %swap3A_362 = arith.constant 16 : index
    %swap3A_363 = tpu.vector_load %arg7[%swap3A_360, %swap3A_361, %swap3A_362] {strides = array<i32>} : memref<4x4x64xf32, #tpu.memory_space<vmem>>, vector<1x1x16xf32>,
    %swap3A_364 = vector.shape_cast %swap3A_363 : vector<1x1x16xf32> to vector<16xf32>
    %swap3A_365 = vector.shape_cast %get3A_24 : vector<16xf32> to vector<1x1x16xf32>
    tpu.vector_store %arg7[%swap3A_360, %swap3A_361, %swap3A_362], %swap3A_365 {strides = array<i32>} : memref<4x4x64xf32, #tpu.memory_space<vmem>>, vector<1x1x16xf32>,
    %swap3A_366 = arith.constant 2 : i32
    %swap3A_367 = arith.constant 0 : i32
    %swap3A_368 = arith.index_cast %swap3A_366 : i32 to index
    %swap3A_369 = arith.index_cast %swap3A_367 : i32 to index
    %swap3A_370 = arith.constant 32 : index
    %swap3A_371 = tpu.vector_load %arg7[%swap3A_368, %swap3A_369, %swap3A_370] {strides = array<i32>} : memref<4x4x64xf32, #tpu.memory_space<vmem>>, vector<1x1x16xf32>,
    %swap3A_372 = vector.shape_cast %swap3A_371 : vector<1x1x16xf32> to vector<16xf32>
    %swap3A_373 = vector.shape_cast %get3A_29 : vector<16xf32> to vector<1x1x16xf32>
    tpu.vector_store %arg7[%swap3A_368, %swap3A_369, %swap3A_370], %swap3A_373 {strides = array<i32>} : memref<4x4x64xf32, #tpu.memory_space<vmem>>, vector<1x1x16xf32>,
    %swap3A_374 = arith.constant 2 : i32
    %swap3A_375 = arith.constant 0 : i32
    %swap3A_376 = arith.index_cast %swap3A_374 : i32 to index
    %swap3A_377 = arith.index_cast %swap3A_375 : i32 to index
    %swap3A_378 = arith.constant 48 : index
    %swap3A_379 = tpu.vector_load %arg7[%swap3A_376, %swap3A_377, %swap3A_378] {strides = array<i32>} : memref<4x4x64xf32, #tpu.memory_space<vmem>>, vector<1x1x16xf32>,
    %swap3A_380 = vector.shape_cast %swap3A_379 : vector<1x1x16xf32> to vector<16xf32>
    %swap3A_381 = vector.shape_cast %get3A_34 : vector<16xf32> to vector<1x1x16xf32>
    tpu.vector_store %arg7[%swap3A_376, %swap3A_377, %swap3A_378], %swap3A_381 {strides = array<i32>} : memref<4x4x64xf32, #tpu.memory_space<vmem>>, vector<1x1x16xf32>,
    %swap3A_382 = arith.constant 2 : i32
    %swap3A_383 = arith.constant 1 : i32
    %swap3A_384 = arith.index_cast %swap3A_382 : i32 to index
    %swap3A_385 = arith.index_cast %swap3A_383 : i32 to index
    %swap3A_386 = arith.constant 0 : index
    %swap3A_387 = tpu.vector_load %arg7[%swap3A_384, %swap3A_385, %swap3A_386] {strides = array<i32>} : memref<4x4x64xf32, #tpu.memory_space<vmem>>, vector<1x1x16xf32>,
    %swap3A_388 = vector.shape_cast %swap3A_387 : vector<1x1x16xf32> to vector<16xf32>
    %swap3A_389 = vector.shape_cast %get3A_39 : vector<16xf32> to vector<1x1x16xf32>
    tpu.vector_store %arg7[%swap3A_384, %swap3A_385, %swap3A_386], %swap3A_389 {strides = array<i32>} : memref<4x4x64xf32, #tpu.memory_space<vmem>>, vector<1x1x16xf32>,
    %swap3A_390 = arith.constant 2 : i32
    %swap3A_391 = arith.constant 1 : i32
    %swap3A_392 = arith.index_cast %swap3A_390 : i32 to index
    %swap3A_393 = arith.index_cast %swap3A_391 : i32 to index
    %swap3A_394 = arith.constant 16 : index
    %swap3A_395 = tpu.vector_load %arg7[%swap3A_392, %swap3A_393, %swap3A_394] {strides = array<i32>} : memref<4x4x64xf32, #tpu.memory_space<vmem>>, vector<1x1x16xf32>,
    %swap3A_396 = vector.shape_cast %swap3A_395 : vector<1x1x16xf32> to vector<16xf32>
    %swap3A_397 = vector.shape_cast %get3A_44 : vector<16xf32> to vector<1x1x16xf32>
    tpu.vector_store %arg7[%swap3A_392, %swap3A_393, %swap3A_394], %swap3A_397 {strides = array<i32>} : memref<4x4x64xf32, #tpu.memory_space<vmem>>, vector<1x1x16xf32>,
    %swap3A_398 = arith.constant 2 : i32
    %swap3A_399 = arith.constant 1 : i32
    %swap3A_400 = arith.index_cast %swap3A_398 : i32 to index
    %swap3A_401 = arith.index_cast %swap3A_399 : i32 to index
    %swap3A_402 = arith.constant 32 : index
    %swap3A_403 = tpu.vector_load %arg7[%swap3A_400, %swap3A_401, %swap3A_402] {strides = array<i32>} : memref<4x4x64xf32, #tpu.memory_space<vmem>>, vector<1x1x16xf32>,
    %swap3A_404 = vector.shape_cast %swap3A_403 : vector<1x1x16xf32> to vector<16xf32>
    %swap3A_405 = vector.shape_cast %get3A_49 : vector<16xf32> to vector<1x1x16xf32>
    tpu.vector_store %arg7[%swap3A_400, %swap3A_401, %swap3A_402], %swap3A_405 {strides = array<i32>} : memref<4x4x64xf32, #tpu.memory_space<vmem>>, vector<1x1x16xf32>,
    %swap3A_406 = arith.constant 2 : i32
    %swap3A_407 = arith.constant 1 : i32
    %swap3A_408 = arith.index_cast %swap3A_406 : i32 to index
    %swap3A_409 = arith.index_cast %swap3A_407 : i32 to index
    %swap3A_410 = arith.constant 48 : index
    %swap3A_411 = tpu.vector_load %arg7[%swap3A_408, %swap3A_409, %swap3A_410] {strides = array<i32>} : memref<4x4x64xf32, #tpu.memory_space<vmem>>, vector<1x1x16xf32>,
    %swap3A_412 = vector.shape_cast %swap3A_411 : vector<1x1x16xf32> to vector<16xf32>
    %swap3A_413 = vector.shape_cast %get3A_54 : vector<16xf32> to vector<1x1x16xf32>
    tpu.vector_store %arg7[%swap3A_408, %swap3A_409, %swap3A_410], %swap3A_413 {strides = array<i32>} : memref<4x4x64xf32, #tpu.memory_space<vmem>>, vector<1x1x16xf32>,
    %swap3A_414 = arith.constant 2 : i32
    %swap3A_415 = arith.constant 2 : i32
    %swap3A_416 = arith.index_cast %swap3A_414 : i32 to index
    %swap3A_417 = arith.index_cast %swap3A_415 : i32 to index
    %swap3A_418 = arith.constant 0 : index
    %swap3A_419 = tpu.vector_load %arg7[%swap3A_416, %swap3A_417, %swap3A_418] {strides = array<i32>} : memref<4x4x64xf32, #tpu.memory_space<vmem>>, vector<1x1x16xf32>,
    %swap3A_420 = vector.shape_cast %swap3A_419 : vector<1x1x16xf32> to vector<16xf32>
    %swap3A_421 = vector.shape_cast %get3A_59 : vector<16xf32> to vector<1x1x16xf32>
    tpu.vector_store %arg7[%swap3A_416, %swap3A_417, %swap3A_418], %swap3A_421 {strides = array<i32>} : memref<4x4x64xf32, #tpu.memory_space<vmem>>, vector<1x1x16xf32>,
    %swap3A_422 = arith.constant 2 : i32
    %swap3A_423 = arith.constant 2 : i32
    %swap3A_424 = arith.index_cast %swap3A_422 : i32 to index
    %swap3A_425 = arith.index_cast %swap3A_423 : i32 to index
    %swap3A_426 = arith.constant 16 : index
    %swap3A_427 = tpu.vector_load %arg7[%swap3A_424, %swap3A_425, %swap3A_426] {strides = array<i32>} : memref<4x4x64xf32, #tpu.memory_space<vmem>>, vector<1x1x16xf32>,
    %swap3A_428 = vector.shape_cast %swap3A_427 : vector<1x1x16xf32> to vector<16xf32>
    %swap3A_429 = vector.shape_cast %get3A_64 : vector<16xf32> to vector<1x1x16xf32>
    tpu.vector_store %arg7[%swap3A_424, %swap3A_425, %swap3A_426], %swap3A_429 {strides = array<i32>} : memref<4x4x64xf32, #tpu.memory_space<vmem>>, vector<1x1x16xf32>,
    %swap3A_430 = arith.constant 2 : i32
    %swap3A_431 = arith.constant 2 : i32
    %swap3A_432 = arith.index_cast %swap3A_430 : i32 to index
    %swap3A_433 = arith.index_cast %swap3A_431 : i32 to index
    %swap3A_434 = arith.constant 32 : index
    %swap3A_435 = tpu.vector_load %arg7[%swap3A_432, %swap3A_433, %swap3A_434] {strides = array<i32>} : memref<4x4x64xf32, #tpu.memory_space<vmem>>, vector<1x1x16xf32>,
    %swap3A_436 = vector.shape_cast %swap3A_435 : vector<1x1x16xf32> to vector<16xf32>
    %swap3A_437 = vector.shape_cast %get3A_69 : vector<16xf32> to vector<1x1x16xf32>
    tpu.vector_store %arg7[%swap3A_432, %swap3A_433, %swap3A_434], %swap3A_437 {strides = array<i32>} : memref<4x4x64xf32, #tpu.memory_space<vmem>>, vector<1x1x16xf32>,
    %swap3A_438 = arith.constant 2 : i32
    %swap3A_439 = arith.constant 2 : i32
    %swap3A_440 = arith.index_cast %swap3A_438 : i32 to index
    %swap3A_441 = arith.index_cast %swap3A_439 : i32 to index
    %swap3A_442 = arith.constant 48 : index
    %swap3A_443 = tpu.vector_load %arg7[%swap3A_440, %swap3A_441, %swap3A_442] {strides = array<i32>} : memref<4x4x64xf32, #tpu.memory_space<vmem>>, vector<1x1x16xf32>,
    %swap3A_444 = vector.shape_cast %swap3A_443 : vector<1x1x16xf32> to vector<16xf32>
    %swap3A_445 = vector.shape_cast %get3A_74 : vector<16xf32> to vector<1x1x16xf32>
    tpu.vector_store %arg7[%swap3A_440, %swap3A_441, %swap3A_442], %swap3A_445 {strides = array<i32>} : memref<4x4x64xf32, #tpu.memory_space<vmem>>, vector<1x1x16xf32>,
    %swap3A_446 = arith.constant 2 : i32
    %swap3A_447 = arith.constant 3 : i32
    %swap3A_448 = arith.index_cast %swap3A_446 : i32 to index
    %swap3A_449 = arith.index_cast %swap3A_447 : i32 to index
    %swap3A_450 = arith.constant 0 : index
    %swap3A_451 = tpu.vector_load %arg7[%swap3A_448, %swap3A_449, %swap3A_450] {strides = array<i32>} : memref<4x4x64xf32, #tpu.memory_space<vmem>>, vector<1x1x16xf32>,
    %swap3A_452 = vector.shape_cast %swap3A_451 : vector<1x1x16xf32> to vector<16xf32>
    %swap3A_453 = vector.shape_cast %get3A_79 : vector<16xf32> to vector<1x1x16xf32>
    tpu.vector_store %arg7[%swap3A_448, %swap3A_449, %swap3A_450], %swap3A_453 {strides = array<i32>} : memref<4x4x64xf32, #tpu.memory_space<vmem>>, vector<1x1x16xf32>,
    %swap3A_454 = arith.constant 2 : i32
    %swap3A_455 = arith.constant 3 : i32
    %swap3A_456 = arith.index_cast %swap3A_454 : i32 to index
    %swap3A_457 = arith.index_cast %swap3A_455 : i32 to index
    %swap3A_458 = arith.constant 16 : index
    %swap3A_459 = tpu.vector_load %arg7[%swap3A_456, %swap3A_457, %swap3A_458] {strides = array<i32>} : memref<4x4x64xf32, #tpu.memory_space<vmem>>, vector<1x1x16xf32>,
    %swap3A_460 = vector.shape_cast %swap3A_459 : vector<1x1x16xf32> to vector<16xf32>
    %swap3A_461 = vector.shape_cast %get3A_84 : vector<16xf32> to vector<1x1x16xf32>
    tpu.vector_store %arg7[%swap3A_456, %swap3A_457, %swap3A_458], %swap3A_461 {strides = array<i32>} : memref<4x4x64xf32, #tpu.memory_space<vmem>>, vector<1x1x16xf32>,
    %swap3A_462 = arith.constant 2 : i32
    %swap3A_463 = arith.constant 3 : i32
    %swap3A_464 = arith.index_cast %swap3A_462 : i32 to index
    %swap3A_465 = arith.index_cast %swap3A_463 : i32 to index
    %swap3A_466 = arith.constant 32 : index
    %swap3A_467 = tpu.vector_load %arg7[%swap3A_464, %swap3A_465, %swap3A_466] {strides = array<i32>} : memref<4x4x64xf32, #tpu.memory_space<vmem>>, vector<1x1x16xf32>,
    %swap3A_468 = vector.shape_cast %swap3A_467 : vector<1x1x16xf32> to vector<16xf32>
    %swap3A_469 = vector.shape_cast %get3A_89 : vector<16xf32> to vector<1x1x16xf32>
    tpu.vector_store %arg7[%swap3A_464, %swap3A_465, %swap3A_466], %swap3A_469 {strides = array<i32>} : memref<4x4x64xf32, #tpu.memory_space<vmem>>, vector<1x1x16xf32>,
    %swap3A_470 = arith.constant 2 : i32
    %swap3A_471 = arith.constant 3 : i32
    %swap3A_472 = arith.index_cast %swap3A_470 : i32 to index
    %swap3A_473 = arith.index_cast %swap3A_471 : i32 to index
    %swap3A_474 = arith.constant 48 : index
    %swap3A_475 = tpu.vector_load %arg7[%swap3A_472, %swap3A_473, %swap3A_474] {strides = array<i32>} : memref<4x4x64xf32, #tpu.memory_space<vmem>>, vector<1x1x16xf32>,
    %swap3A_476 = vector.shape_cast %swap3A_475 : vector<1x1x16xf32> to vector<16xf32>
    %swap3A_477 = vector.shape_cast %get3A_94 : vector<16xf32> to vector<1x1x16xf32>
    tpu.vector_store %arg7[%swap3A_472, %swap3A_473, %swap3A_474], %swap3A_477 {strides = array<i32>} : memref<4x4x64xf32, #tpu.memory_space<vmem>>, vector<1x1x16xf32>,
    %swap3A_478 = arith.constant 3 : i32
    %swap3A_479 = arith.constant 0 : i32
    %swap3A_480 = arith.index_cast %swap3A_478 : i32 to index
    %swap3A_481 = arith.index_cast %swap3A_479 : i32 to index
    %swap3A_482 = arith.constant 0 : index
    %swap3A_483 = tpu.vector_load %arg7[%swap3A_480, %swap3A_481, %swap3A_482] {strides = array<i32>} : memref<4x4x64xf32, #tpu.memory_space<vmem>>, vector<1x1x16xf32>,
    %swap3A_484 = vector.shape_cast %swap3A_483 : vector<1x1x16xf32> to vector<16xf32>
    %swap3A_485 = vector.shape_cast %get3A_19 : vector<16xf32> to vector<1x1x16xf32>
    tpu.vector_store %arg7[%swap3A_480, %swap3A_481, %swap3A_482], %swap3A_485 {strides = array<i32>} : memref<4x4x64xf32, #tpu.memory_space<vmem>>, vector<1x1x16xf32>,
    %swap3A_486 = arith.constant 3 : i32
    %swap3A_487 = arith.constant 0 : i32
    %swap3A_488 = arith.index_cast %swap3A_486 : i32 to index
    %swap3A_489 = arith.index_cast %swap3A_487 : i32 to index
    %swap3A_490 = arith.constant 16 : index
    %swap3A_491 = tpu.vector_load %arg7[%swap3A_488, %swap3A_489, %swap3A_490] {strides = array<i32>} : memref<4x4x64xf32, #tpu.memory_space<vmem>>, vector<1x1x16xf32>,
    %swap3A_492 = vector.shape_cast %swap3A_491 : vector<1x1x16xf32> to vector<16xf32>
    %swap3A_493 = vector.shape_cast %get3A_24 : vector<16xf32> to vector<1x1x16xf32>
    tpu.vector_store %arg7[%swap3A_488, %swap3A_489, %swap3A_490], %swap3A_493 {strides = array<i32>} : memref<4x4x64xf32, #tpu.memory_space<vmem>>, vector<1x1x16xf32>,
    %swap3A_494 = arith.constant 3 : i32
    %swap3A_495 = arith.constant 0 : i32
    %swap3A_496 = arith.index_cast %swap3A_494 : i32 to index
    %swap3A_497 = arith.index_cast %swap3A_495 : i32 to index
    %swap3A_498 = arith.constant 32 : index
    %swap3A_499 = tpu.vector_load %arg7[%swap3A_496, %swap3A_497, %swap3A_498] {strides = array<i32>} : memref<4x4x64xf32, #tpu.memory_space<vmem>>, vector<1x1x16xf32>,
    %swap3A_500 = vector.shape_cast %swap3A_499 : vector<1x1x16xf32> to vector<16xf32>
    %swap3A_501 = vector.shape_cast %get3A_29 : vector<16xf32> to vector<1x1x16xf32>
    tpu.vector_store %arg7[%swap3A_496, %swap3A_497, %swap3A_498], %swap3A_501 {strides = array<i32>} : memref<4x4x64xf32, #tpu.memory_space<vmem>>, vector<1x1x16xf32>,
    %swap3A_502 = arith.constant 3 : i32
    %swap3A_503 = arith.constant 0 : i32
    %swap3A_504 = arith.index_cast %swap3A_502 : i32 to index
    %swap3A_505 = arith.index_cast %swap3A_503 : i32 to index
    %swap3A_506 = arith.constant 48 : index
    %swap3A_507 = tpu.vector_load %arg7[%swap3A_504, %swap3A_505, %swap3A_506] {strides = array<i32>} : memref<4x4x64xf32, #tpu.memory_space<vmem>>, vector<1x1x16xf32>,
    %swap3A_508 = vector.shape_cast %swap3A_507 : vector<1x1x16xf32> to vector<16xf32>
    %swap3A_509 = vector.shape_cast %get3A_34 : vector<16xf32> to vector<1x1x16xf32>
    tpu.vector_store %arg7[%swap3A_504, %swap3A_505, %swap3A_506], %swap3A_509 {strides = array<i32>} : memref<4x4x64xf32, #tpu.memory_space<vmem>>, vector<1x1x16xf32>,
    %swap3A_510 = arith.constant 3 : i32
    %swap3A_511 = arith.constant 1 : i32
    %swap3A_512 = arith.index_cast %swap3A_510 : i32 to index
    %swap3A_513 = arith.index_cast %swap3A_511 : i32 to index
    %swap3A_514 = arith.constant 0 : index
    %swap3A_515 = tpu.vector_load %arg7[%swap3A_512, %swap3A_513, %swap3A_514] {strides = array<i32>} : memref<4x4x64xf32, #tpu.memory_space<vmem>>, vector<1x1x16xf32>,
    %swap3A_516 = vector.shape_cast %swap3A_515 : vector<1x1x16xf32> to vector<16xf32>
    %swap3A_517 = vector.shape_cast %get3A_39 : vector<16xf32> to vector<1x1x16xf32>
    tpu.vector_store %arg7[%swap3A_512, %swap3A_513, %swap3A_514], %swap3A_517 {strides = array<i32>} : memref<4x4x64xf32, #tpu.memory_space<vmem>>, vector<1x1x16xf32>,
    %swap3A_518 = arith.constant 3 : i32
    %swap3A_519 = arith.constant 1 : i32
    %swap3A_520 = arith.index_cast %swap3A_518 : i32 to index
    %swap3A_521 = arith.index_cast %swap3A_519 : i32 to index
    %swap3A_522 = arith.constant 16 : index
    %swap3A_523 = tpu.vector_load %arg7[%swap3A_520, %swap3A_521, %swap3A_522] {strides = array<i32>} : memref<4x4x64xf32, #tpu.memory_space<vmem>>, vector<1x1x16xf32>,
    %swap3A_524 = vector.shape_cast %swap3A_523 : vector<1x1x16xf32> to vector<16xf32>
    %swap3A_525 = vector.shape_cast %get3A_44 : vector<16xf32> to vector<1x1x16xf32>
    tpu.vector_store %arg7[%swap3A_520, %swap3A_521, %swap3A_522], %swap3A_525 {strides = array<i32>} : memref<4x4x64xf32, #tpu.memory_space<vmem>>, vector<1x1x16xf32>,
    %swap3A_526 = arith.constant 3 : i32
    %swap3A_527 = arith.constant 1 : i32
    %swap3A_528 = arith.index_cast %swap3A_526 : i32 to index
    %swap3A_529 = arith.index_cast %swap3A_527 : i32 to index
    %swap3A_530 = arith.constant 32 : index
    %swap3A_531 = tpu.vector_load %arg7[%swap3A_528, %swap3A_529, %swap3A_530] {strides = array<i32>} : memref<4x4x64xf32, #tpu.memory_space<vmem>>, vector<1x1x16xf32>,
    %swap3A_532 = vector.shape_cast %swap3A_531 : vector<1x1x16xf32> to vector<16xf32>
    %swap3A_533 = vector.shape_cast %get3A_49 : vector<16xf32> to vector<1x1x16xf32>
    tpu.vector_store %arg7[%swap3A_528, %swap3A_529, %swap3A_530], %swap3A_533 {strides = array<i32>} : memref<4x4x64xf32, #tpu.memory_space<vmem>>, vector<1x1x16xf32>,
    %swap3A_534 = arith.constant 3 : i32
    %swap3A_535 = arith.constant 1 : i32
    %swap3A_536 = arith.index_cast %swap3A_534 : i32 to index
    %swap3A_537 = arith.index_cast %swap3A_535 : i32 to index
    %swap3A_538 = arith.constant 48 : index
    %swap3A_539 = tpu.vector_load %arg7[%swap3A_536, %swap3A_537, %swap3A_538] {strides = array<i32>} : memref<4x4x64xf32, #tpu.memory_space<vmem>>, vector<1x1x16xf32>,
    %swap3A_540 = vector.shape_cast %swap3A_539 : vector<1x1x16xf32> to vector<16xf32>
    %swap3A_541 = vector.shape_cast %get3A_54 : vector<16xf32> to vector<1x1x16xf32>
    tpu.vector_store %arg7[%swap3A_536, %swap3A_537, %swap3A_538], %swap3A_541 {strides = array<i32>} : memref<4x4x64xf32, #tpu.memory_space<vmem>>, vector<1x1x16xf32>,
    %swap3A_542 = arith.constant 3 : i32
    %swap3A_543 = arith.constant 2 : i32
    %swap3A_544 = arith.index_cast %swap3A_542 : i32 to index
    %swap3A_545 = arith.index_cast %swap3A_543 : i32 to index
    %swap3A_546 = arith.constant 0 : index
    %swap3A_547 = tpu.vector_load %arg7[%swap3A_544, %swap3A_545, %swap3A_546] {strides = array<i32>} : memref<4x4x64xf32, #tpu.memory_space<vmem>>, vector<1x1x16xf32>,
    %swap3A_548 = vector.shape_cast %swap3A_547 : vector<1x1x16xf32> to vector<16xf32>
    %swap3A_549 = vector.shape_cast %get3A_59 : vector<16xf32> to vector<1x1x16xf32>
    tpu.vector_store %arg7[%swap3A_544, %swap3A_545, %swap3A_546], %swap3A_549 {strides = array<i32>} : memref<4x4x64xf32, #tpu.memory_space<vmem>>, vector<1x1x16xf32>,
    %swap3A_550 = arith.constant 3 : i32
    %swap3A_551 = arith.constant 2 : i32
    %swap3A_552 = arith.index_cast %swap3A_550 : i32 to index
    %swap3A_553 = arith.index_cast %swap3A_551 : i32 to index
    %swap3A_554 = arith.constant 16 : index
    %swap3A_555 = tpu.vector_load %arg7[%swap3A_552, %swap3A_553, %swap3A_554] {strides = array<i32>} : memref<4x4x64xf32, #tpu.memory_space<vmem>>, vector<1x1x16xf32>,
    %swap3A_556 = vector.shape_cast %swap3A_555 : vector<1x1x16xf32> to vector<16xf32>
    %swap3A_557 = vector.shape_cast %get3A_64 : vector<16xf32> to vector<1x1x16xf32>
    tpu.vector_store %arg7[%swap3A_552, %swap3A_553, %swap3A_554], %swap3A_557 {strides = array<i32>} : memref<4x4x64xf32, #tpu.memory_space<vmem>>, vector<1x1x16xf32>,
    %swap3A_558 = arith.constant 3 : i32
    %swap3A_559 = arith.constant 2 : i32
    %swap3A_560 = arith.index_cast %swap3A_558 : i32 to index
    %swap3A_561 = arith.index_cast %swap3A_559 : i32 to index
    %swap3A_562 = arith.constant 32 : index
    %swap3A_563 = tpu.vector_load %arg7[%swap3A_560, %swap3A_561, %swap3A_562] {strides = array<i32>} : memref<4x4x64xf32, #tpu.memory_space<vmem>>, vector<1x1x16xf32>,
    %swap3A_564 = vector.shape_cast %swap3A_563 : vector<1x1x16xf32> to vector<16xf32>
    %swap3A_565 = vector.shape_cast %get3A_69 : vector<16xf32> to vector<1x1x16xf32>
    tpu.vector_store %arg7[%swap3A_560, %swap3A_561, %swap3A_562], %swap3A_565 {strides = array<i32>} : memref<4x4x64xf32, #tpu.memory_space<vmem>>, vector<1x1x16xf32>,
    %swap3A_566 = arith.constant 3 : i32
    %swap3A_567 = arith.constant 2 : i32
    %swap3A_568 = arith.index_cast %swap3A_566 : i32 to index
    %swap3A_569 = arith.index_cast %swap3A_567 : i32 to index
    %swap3A_570 = arith.constant 48 : index
    %swap3A_571 = tpu.vector_load %arg7[%swap3A_568, %swap3A_569, %swap3A_570] {strides = array<i32>} : memref<4x4x64xf32, #tpu.memory_space<vmem>>, vector<1x1x16xf32>,
    %swap3A_572 = vector.shape_cast %swap3A_571 : vector<1x1x16xf32> to vector<16xf32>
    %swap3A_573 = vector.shape_cast %get3A_74 : vector<16xf32> to vector<1x1x16xf32>
    tpu.vector_store %arg7[%swap3A_568, %swap3A_569, %swap3A_570], %swap3A_573 {strides = array<i32>} : memref<4x4x64xf32, #tpu.memory_space<vmem>>, vector<1x1x16xf32>,
    %swap3A_574 = arith.constant 3 : i32
    %swap3A_575 = arith.constant 3 : i32
    %swap3A_576 = arith.index_cast %swap3A_574 : i32 to index
    %swap3A_577 = arith.index_cast %swap3A_575 : i32 to index
    %swap3A_578 = arith.constant 0 : index
    %swap3A_579 = tpu.vector_load %arg7[%swap3A_576, %swap3A_577, %swap3A_578] {strides = array<i32>} : memref<4x4x64xf32, #tpu.memory_space<vmem>>, vector<1x1x16xf32>,
    %swap3A_580 = vector.shape_cast %swap3A_579 : vector<1x1x16xf32> to vector<16xf32>
    %swap3A_581 = vector.shape_cast %get3A_79 : vector<16xf32> to vector<1x1x16xf32>
    tpu.vector_store %arg7[%swap3A_576, %swap3A_577, %swap3A_578], %swap3A_581 {strides = array<i32>} : memref<4x4x64xf32, #tpu.memory_space<vmem>>, vector<1x1x16xf32>,
    %swap3A_582 = arith.constant 3 : i32
    %swap3A_583 = arith.constant 3 : i32
    %swap3A_584 = arith.index_cast %swap3A_582 : i32 to index
    %swap3A_585 = arith.index_cast %swap3A_583 : i32 to index
    %swap3A_586 = arith.constant 16 : index
    %swap3A_587 = tpu.vector_load %arg7[%swap3A_584, %swap3A_585, %swap3A_586] {strides = array<i32>} : memref<4x4x64xf32, #tpu.memory_space<vmem>>, vector<1x1x16xf32>,
    %swap3A_588 = vector.shape_cast %swap3A_587 : vector<1x1x16xf32> to vector<16xf32>
    %swap3A_589 = vector.shape_cast %get3A_84 : vector<16xf32> to vector<1x1x16xf32>
    tpu.vector_store %arg7[%swap3A_584, %swap3A_585, %swap3A_586], %swap3A_589 {strides = array<i32>} : memref<4x4x64xf32, #tpu.memory_space<vmem>>, vector<1x1x16xf32>,
    %swap3A_590 = arith.constant 3 : i32
    %swap3A_591 = arith.constant 3 : i32
    %swap3A_592 = arith.index_cast %swap3A_590 : i32 to index
    %swap3A_593 = arith.index_cast %swap3A_591 : i32 to index
    %swap3A_594 = arith.constant 32 : index
    %swap3A_595 = tpu.vector_load %arg7[%swap3A_592, %swap3A_593, %swap3A_594] {strides = array<i32>} : memref<4x4x64xf32, #tpu.memory_space<vmem>>, vector<1x1x16xf32>,
    %swap3A_596 = vector.shape_cast %swap3A_595 : vector<1x1x16xf32> to vector<16xf32>
    %swap3A_597 = vector.shape_cast %get3A_89 : vector<16xf32> to vector<1x1x16xf32>
    tpu.vector_store %arg7[%swap3A_592, %swap3A_593, %swap3A_594], %swap3A_597 {strides = array<i32>} : memref<4x4x64xf32, #tpu.memory_space<vmem>>, vector<1x1x16xf32>,
    %swap3A_598 = arith.constant 3 : i32
    %swap3A_599 = arith.constant 3 : i32
    %swap3A_600 = arith.index_cast %swap3A_598 : i32 to index
    %swap3A_601 = arith.index_cast %swap3A_599 : i32 to index
    %swap3A_602 = arith.constant 48 : index
    %swap3A_603 = tpu.vector_load %arg7[%swap3A_600, %swap3A_601, %swap3A_602] {strides = array<i32>} : memref<4x4x64xf32, #tpu.memory_space<vmem>>, vector<1x1x16xf32>,
    %swap3A_604 = vector.shape_cast %swap3A_603 : vector<1x1x16xf32> to vector<16xf32>
    %swap3A_605 = vector.shape_cast %get3A_94 : vector<16xf32> to vector<1x1x16xf32>
    tpu.vector_store %arg7[%swap3A_600, %swap3A_601, %swap3A_602], %swap3A_605 {strides = array<i32>} : memref<4x4x64xf32, #tpu.memory_space<vmem>>, vector<1x1x16xf32>,
    %add3A_606 = arith.constant 0 : i32
    %add3A_607 = arith.addi %min3A_3, %add3A_606 : i32
    %dma_start3A_608 = arith.constant 0 : i32
    %dma_start3A_609 = arith.constant 0 : i32
    %dma_start3A_610 = tpu.memref_slice %arg4[%add3A_607, %dma_start3A_608, %dma_start3A_609] : memref<1000x5x64xf32, #tpu.memory_space<hbm>> -> memref<4x4x64xf32, #tpu.memory_space<hbm>>
    %dma_start3A_611 = arith.constant 0 : i32
    %dma_start3A_612 = arith.constant 0 : i32
    %dma_start3A_613 = tpu.memref_slice %arg4[%add3A_607, %dma_start3A_611, %dma_start3A_612] : memref<1000x5x64xf32, #tpu.memory_space<hbm>> -> memref<4x4x64xf32, #tpu.memory_space<hbm>>
    tpu.enqueue_dma source(%arg7 : memref<4x4x64xf32, #tpu.memory_space<vmem>>) target(%dma_start3A_613 : memref<4x4x64xf32, #tpu.memory_space<hbm>>) target_semaphore(%arg10 : memref<!tpu.dma_semaphore, #tpu.memory_space<semaphore_mem>>)
    %add3A_614 = arith.constant 4 : i32
    %add3A_615 = arith.addi %min3A_3, %add3A_614 : i32
    %dma_start3A_616 = arith.constant 0 : i32
    %dma_start3A_617 = arith.constant 0 : i32
    %dma_start3A_618 = tpu.memref_slice %arg4[%add3A_615, %dma_start3A_616, %dma_start3A_617] : memref<1000x5x64xf32, #tpu.memory_space<hbm>> -> memref<4x4x64xf32, #tpu.memory_space<hbm>>
    %dma_start3A_619 = arith.constant 0 : i32
    %dma_start3A_620 = arith.constant 0 : i32
    %dma_start3A_621 = tpu.memref_slice %arg4[%add3A_615, %dma_start3A_619, %dma_start3A_620] : memref<1000x5x64xf32, #tpu.memory_space<hbm>> -> memref<4x4x64xf32, #tpu.memory_space<hbm>>
    tpu.enqueue_dma source(%arg7 : memref<4x4x64xf32, #tpu.memory_space<vmem>>) target(%dma_start3A_621 : memref<4x4x64xf32, #tpu.memory_space<hbm>>) target_semaphore(%arg10 : memref<!tpu.dma_semaphore, #tpu.memory_space<semaphore_mem>>)
    %add3A_622 = arith.constant 8 : i32
    %add3A_623 = arith.addi %min3A_3, %add3A_622 : i32
    %dma_start3A_624 = arith.constant 0 : i32
    %dma_start3A_625 = arith.constant 0 : i32
    %dma_start3A_626 = tpu.memref_slice %arg4[%add3A_623, %dma_start3A_624, %dma_start3A_625] : memref<1000x5x64xf32, #tpu.memory_space<hbm>> -> memref<4x4x64xf32, #tpu.memory_space<hbm>>
    %dma_start3A_627 = arith.constant 0 : i32
    %dma_start3A_628 = arith.constant 0 : i32
    %dma_start3A_629 = tpu.memref_slice %arg4[%add3A_623, %dma_start3A_627, %dma_start3A_628] : memref<1000x5x64xf32, #tpu.memory_space<hbm>> -> memref<4x4x64xf32, #tpu.memory_space<hbm>>
    tpu.enqueue_dma source(%arg7 : memref<4x4x64xf32, #tpu.memory_space<vmem>>) target(%dma_start3A_629 : memref<4x4x64xf32, #tpu.memory_space<hbm>>) target_semaphore(%arg10 : memref<!tpu.dma_semaphore, #tpu.memory_space<semaphore_mem>>)
    %add3A_630 = arith.constant 12 : i32
    %add3A_631 = arith.addi %min3A_3, %add3A_630 : i32
    %dma_start3A_632 = arith.constant 0 : i32
    %dma_start3A_633 = arith.constant 0 : i32
    %dma_start3A_634 = tpu.memref_slice %arg4[%add3A_631, %dma_start3A_632, %dma_start3A_633] : memref<1000x5x64xf32, #tpu.memory_space<hbm>> -> memref<4x4x64xf32, #tpu.memory_space<hbm>>
    %dma_start3A_635 = arith.constant 0 : i32
    %dma_start3A_636 = arith.constant 0 : i32
    %dma_start3A_637 = tpu.memref_slice %arg4[%add3A_631, %dma_start3A_635, %dma_start3A_636] : memref<1000x5x64xf32, #tpu.memory_space<hbm>> -> memref<4x4x64xf32, #tpu.memory_space<hbm>>
    tpu.enqueue_dma source(%arg7 : memref<4x4x64xf32, #tpu.memory_space<vmem>>) target(%dma_start3A_637 : memref<4x4x64xf32, #tpu.memory_space<hbm>>) target_semaphore(%arg10 : memref<!tpu.dma_semaphore, #tpu.memory_space<semaphore_mem>>)
    %add3A_638 = arith.constant 16 : i32
    %add3A_639 = arith.addi %min3A_3, %add3A_638 : i32
    %dma_start3A_640 = arith.constant 0 : i32
    %dma_start3A_641 = arith.constant 0 : i32
    %dma_start3A_642 = tpu.memref_slice %arg4[%add3A_639, %dma_start3A_640, %dma_start3A_641] : memref<1000x5x64xf32, #tpu.memory_space<hbm>> -> memref<4x4x64xf32, #tpu.memory_space<hbm>>
    %dma_start3A_643 = arith.constant 0 : i32
    %dma_start3A_644 = arith.constant 0 : i32
    %dma_start3A_645 = tpu.memref_slice %arg4[%add3A_639, %dma_start3A_643, %dma_start3A_644] : memref<1000x5x64xf32, #tpu.memory_space<hbm>> -> memref<4x4x64xf32, #tpu.memory_space<hbm>>
    tpu.enqueue_dma source(%arg7 : memref<4x4x64xf32, #tpu.memory_space<vmem>>) target(%dma_start3A_645 : memref<4x4x64xf32, #tpu.memory_space<hbm>>) target_semaphore(%arg10 : memref<!tpu.dma_semaphore, #tpu.memory_space<semaphore_mem>>)
    %add3A_646 = arith.constant 20 : i32
    %add3A_647 = arith.addi %min3A_3, %add3A_646 : i32
    %dma_start3A_648 = arith.constant 0 : i32
    %dma_start3A_649 = arith.constant 0 : i32
    %dma_start3A_650 = tpu.memref_slice %arg4[%add3A_647, %dma_start3A_648, %dma_start3A_649] : memref<1000x5x64xf32, #tpu.memory_space<hbm>> -> memref<4x4x64xf32, #tpu.memory_space<hbm>>
    %dma_start3A_651 = arith.constant 0 : i32
    %dma_start3A_652 = arith.constant 0 : i32
    %dma_start3A_653 = tpu.memref_slice %arg4[%add3A_647, %dma_start3A_651, %dma_start3A_652] : memref<1000x5x64xf32, #tpu.memory_space<hbm>> -> memref<4x4x64xf32, #tpu.memory_space<hbm>>
    tpu.enqueue_dma source(%arg7 : memref<4x4x64xf32, #tpu.memory_space<vmem>>) target(%dma_start3A_653 : memref<4x4x64xf32, #tpu.memory_space<hbm>>) target_semaphore(%arg10 : memref<!tpu.dma_semaphore, #tpu.memory_space<semaphore_mem>>)
    %add3A_654 = arith.constant 24 : i32
    %add3A_655 = arith.addi %min3A_3, %add3A_654 : i32
    %dma_start3A_656 = arith.constant 0 : i32
    %dma_start3A_657 = arith.constant 0 : i32
    %dma_start3A_658 = tpu.memref_slice %arg4[%add3A_655, %dma_start3A_656, %dma_start3A_657] : memref<1000x5x64xf32, #tpu.memory_space<hbm>> -> memref<4x4x64xf32, #tpu.memory_space<hbm>>
    %dma_start3A_659 = arith.constant 0 : i32
    %dma_start3A_660 = arith.constant 0 : i32
    %dma_start3A_661 = tpu.memref_slice %arg4[%add3A_655, %dma_start3A_659, %dma_start3A_660] : memref<1000x5x64xf32, #tpu.memory_space<hbm>> -> memref<4x4x64xf32, #tpu.memory_space<hbm>>
    tpu.enqueue_dma source(%arg7 : memref<4x4x64xf32, #tpu.memory_space<vmem>>) target(%dma_start3A_661 : memref<4x4x64xf32, #tpu.memory_space<hbm>>) target_semaphore(%arg10 : memref<!tpu.dma_semaphore, #tpu.memory_space<semaphore_mem>>)
    %add3A_662 = arith.constant 28 : i32
    %add3A_663 = arith.addi %min3A_3, %add3A_662 : i32
    %dma_start3A_664 = arith.constant 0 : i32
    %dma_start3A_665 = arith.constant 0 : i32
    %dma_start3A_666 = tpu.memref_slice %arg4[%add3A_663, %dma_start3A_664, %dma_start3A_665] : memref<1000x5x64xf32, #tpu.memory_space<hbm>> -> memref<4x4x64xf32, #tpu.memory_space<hbm>>
    %dma_start3A_667 = arith.constant 0 : i32
    %dma_start3A_668 = arith.constant 0 : i32
    %dma_start3A_669 = tpu.memref_slice %arg4[%add3A_663, %dma_start3A_667, %dma_start3A_668] : memref<1000x5x64xf32, #tpu.memory_space<hbm>> -> memref<4x4x64xf32, #tpu.memory_space<hbm>>
    tpu.enqueue_dma source(%arg7 : memref<4x4x64xf32, #tpu.memory_space<vmem>>) target(%dma_start3A_669 : memref<4x4x64xf32, #tpu.memory_space<hbm>>) target_semaphore(%arg10 : memref<!tpu.dma_semaphore, #tpu.memory_space<semaphore_mem>>)
    %add3A_670 = arith.constant 32 : i32
    %add3A_671 = arith.addi %min3A_3, %add3A_670 : i32
    %dma_start3A_672 = arith.constant 0 : i32
    %dma_start3A_673 = arith.constant 0 : i32
    %dma_start3A_674 = tpu.memref_slice %arg4[%add3A_671, %dma_start3A_672, %dma_start3A_673] : memref<1000x5x64xf32, #tpu.memory_space<hbm>> -> memref<4x4x64xf32, #tpu.memory_space<hbm>>
    %dma_start3A_675 = arith.constant 0 : i32
    %dma_start3A_676 = arith.constant 0 : i32
    %dma_start3A_677 = tpu.memref_slice %arg4[%add3A_671, %dma_start3A_675, %dma_start3A_676] : memref<1000x5x64xf32, #tpu.memory_space<hbm>> -> memref<4x4x64xf32, #tpu.memory_space<hbm>>
    tpu.enqueue_dma source(%arg7 : memref<4x4x64xf32, #tpu.memory_space<vmem>>) target(%dma_start3A_677 : memref<4x4x64xf32, #tpu.memory_space<hbm>>) target_semaphore(%arg10 : memref<!tpu.dma_semaphore, #tpu.memory_space<semaphore_mem>>)
    %add3A_678 = arith.constant 36 : i32
    %add3A_679 = arith.addi %min3A_3, %add3A_678 : i32
    %dma_start3A_680 = arith.constant 0 : i32
    %dma_start3A_681 = arith.constant 0 : i32
    %dma_start3A_682 = tpu.memref_slice %arg4[%add3A_679, %dma_start3A_680, %dma_start3A_681] : memref<1000x5x64xf32, #tpu.memory_space<hbm>> -> memref<4x4x64xf32, #tpu.memory_space<hbm>>
    %dma_start3A_683 = arith.constant 0 : i32
    %dma_start3A_684 = arith.constant 0 : i32
    %dma_start3A_685 = tpu.memref_slice %arg4[%add3A_679, %dma_start3A_683, %dma_start3A_684] : memref<1000x5x64xf32, #tpu.memory_space<hbm>> -> memref<4x4x64xf32, #tpu.memory_space<hbm>>
    tpu.enqueue_dma source(%arg7 : memref<4x4x64xf32, #tpu.memory_space<vmem>>) target(%dma_start3A_685 : memref<4x4x64xf32, #tpu.memory_space<hbm>>) target_semaphore(%arg10 : memref<!tpu.dma_semaphore, #tpu.memory_space<semaphore_mem>>)
    %add3A_686 = arith.constant 40 : i32
    %add3A_687 = arith.addi %min3A_3, %add3A_686 : i32
    %dma_start3A_688 = arith.constant 0 : i32
    %dma_start3A_689 = arith.constant 0 : i32
    %dma_start3A_690 = tpu.memref_slice %arg4[%add3A_687, %dma_start3A_688, %dma_start3A_689] : memref<1000x5x64xf32, #tpu.memory_space<hbm>> -> memref<4x4x64xf32, #tpu.memory_space<hbm>>
    %dma_start3A_691 = arith.constant 0 : i32
    %dma_start3A_692 = arith.constant 0 : i32
    %dma_start3A_693 = tpu.memref_slice %arg4[%add3A_687, %dma_start3A_691, %dma_start3A_692] : memref<1000x5x64xf32, #tpu.memory_space<hbm>> -> memref<4x4x64xf32, #tpu.memory_space<hbm>>
    tpu.enqueue_dma source(%arg7 : memref<4x4x64xf32, #tpu.memory_space<vmem>>) target(%dma_start3A_693 : memref<4x4x64xf32, #tpu.memory_space<hbm>>) target_semaphore(%arg10 : memref<!tpu.dma_semaphore, #tpu.memory_space<semaphore_mem>>)
    %add3A_694 = arith.constant 44 : i32
    %add3A_695 = arith.addi %min3A_3, %add3A_694 : i32
    %dma_start3A_696 = arith.constant 0 : i32
    %dma_start3A_697 = arith.constant 0 : i32
    %dma_start3A_698 = tpu.memref_slice %arg4[%add3A_695, %dma_start3A_696, %dma_start3A_697] : memref<1000x5x64xf32, #tpu.memory_space<hbm>> -> memref<4x4x64xf32, #tpu.memory_space<hbm>>
    %dma_start3A_699 = arith.constant 0 : i32
    %dma_start3A_700 = arith.constant 0 : i32
    %dma_start3A_701 = tpu.memref_slice %arg4[%add3A_695, %dma_start3A_699, %dma_start3A_700] : memref<1000x5x64xf32, #tpu.memory_space<hbm>> -> memref<4x4x64xf32, #tpu.memory_space<hbm>>
    tpu.enqueue_dma source(%arg7 : memref<4x4x64xf32, #tpu.memory_space<vmem>>) target(%dma_start3A_701 : memref<4x4x64xf32, #tpu.memory_space<hbm>>) target_semaphore(%arg10 : memref<!tpu.dma_semaphore, #tpu.memory_space<semaphore_mem>>)
    %add3A_702 = arith.constant 48 : i32
    %add3A_703 = arith.addi %min3A_3, %add3A_702 : i32
    %dma_start3A_704 = arith.constant 0 : i32
    %dma_start3A_705 = arith.constant 0 : i32
    %dma_start3A_706 = tpu.memref_slice %arg4[%add3A_703, %dma_start3A_704, %dma_start3A_705] : memref<1000x5x64xf32, #tpu.memory_space<hbm>> -> memref<4x4x64xf32, #tpu.memory_space<hbm>>
    %dma_start3A_707 = arith.constant 0 : i32
    %dma_start3A_708 = arith.constant 0 : i32
    %dma_start3A_709 = tpu.memref_slice %arg4[%add3A_703, %dma_start3A_707, %dma_start3A_708] : memref<1000x5x64xf32, #tpu.memory_space<hbm>> -> memref<4x4x64xf32, #tpu.memory_space<hbm>>
    tpu.enqueue_dma source(%arg7 : memref<4x4x64xf32, #tpu.memory_space<vmem>>) target(%dma_start3A_709 : memref<4x4x64xf32, #tpu.memory_space<hbm>>) target_semaphore(%arg10 : memref<!tpu.dma_semaphore, #tpu.memory_space<semaphore_mem>>)
    %add3A_710 = arith.constant 52 : i32
    %add3A_711 = arith.addi %min3A_3, %add3A_710 : i32
    %dma_start3A_712 = arith.constant 0 : i32
    %dma_start3A_713 = arith.constant 0 : i32
    %dma_start3A_714 = tpu.memref_slice %arg4[%add3A_711, %dma_start3A_712, %dma_start3A_713] : memref<1000x5x64xf32, #tpu.memory_space<hbm>> -> memref<4x4x64xf32, #tpu.memory_space<hbm>>
    %dma_start3A_715 = arith.constant 0 : i32
    %dma_start3A_716 = arith.constant 0 : i32
    %dma_start3A_717 = tpu.memref_slice %arg4[%add3A_711, %dma_start3A_715, %dma_start3A_716] : memref<1000x5x64xf32, #tpu.memory_space<hbm>> -> memref<4x4x64xf32, #tpu.memory_space<hbm>>
    tpu.enqueue_dma source(%arg7 : memref<4x4x64xf32, #tpu.memory_space<vmem>>) target(%dma_start3A_717 : memref<4x4x64xf32, #tpu.memory_space<hbm>>) target_semaphore(%arg10 : memref<!tpu.dma_semaphore, #tpu.memory_space<semaphore_mem>>)
    %add3A_718 = arith.constant 56 : i32
    %add3A_719 = arith.addi %min3A_3, %add3A_718 : i32
    %dma_start3A_720 = arith.constant 0 : i32
    %dma_start3A_721 = arith.constant 0 : i32
    %dma_start3A_722 = tpu.memref_slice %arg4[%add3A_719, %dma_start3A_720, %dma_start3A_721] : memref<1000x5x64xf32, #tpu.memory_space<hbm>> -> memref<4x4x64xf32, #tpu.memory_space<hbm>>
    %dma_start3A_723 = arith.constant 0 : i32
    %dma_start3A_724 = arith.constant 0 : i32
    %dma_start3A_725 = tpu.memref_slice %arg4[%add3A_719, %dma_start3A_723, %dma_start3A_724] : memref<1000x5x64xf32, #tpu.memory_space<hbm>> -> memref<4x4x64xf32, #tpu.memory_space<hbm>>
    tpu.enqueue_dma source(%arg7 : memref<4x4x64xf32, #tpu.memory_space<vmem>>) target(%dma_start3A_725 : memref<4x4x64xf32, #tpu.memory_space<hbm>>) target_semaphore(%arg10 : memref<!tpu.dma_semaphore, #tpu.memory_space<semaphore_mem>>)
    %add3A_726 = arith.constant 60 : i32
    %add3A_727 = arith.addi %min3A_3, %add3A_726 : i32
    %dma_start3A_728 = arith.constant 0 : i32
    %dma_start3A_729 = arith.constant 0 : i32
    %dma_start3A_730 = tpu.memref_slice %arg4[%add3A_727, %dma_start3A_728, %dma_start3A_729] : memref<1000x5x64xf32, #tpu.memory_space<hbm>> -> memref<4x4x64xf32, #tpu.memory_space<hbm>>
    %dma_start3A_731 = arith.constant 0 : i32
    %dma_start3A_732 = arith.constant 0 : i32
    %dma_start3A_733 = tpu.memref_slice %arg4[%add3A_727, %dma_start3A_731, %dma_start3A_732] : memref<1000x5x64xf32, #tpu.memory_space<hbm>> -> memref<4x4x64xf32, #tpu.memory_space<hbm>>
    tpu.enqueue_dma source(%arg7 : memref<4x4x64xf32, #tpu.memory_space<vmem>>) target(%dma_start3A_733 : memref<4x4x64xf32, #tpu.memory_space<hbm>>) target_semaphore(%arg10 : memref<!tpu.dma_semaphore, #tpu.memory_space<semaphore_mem>>)
    %dma_wait3A = arith.constant 0 : i32
    %dma_wait3A_734 = arith.constant 0 : i32
    %dma_wait3A_735 = arith.constant 0 : i32
    %dma_wait3A_736 = tpu.memref_slice %arg6[%dma_wait3A_734, %dma_wait3A, %dma_wait3A_735] : memref<64x1x64xf32, #tpu.memory_space<vmem>> -> memref<64x1x64xf32, #tpu.memory_space<vmem>>
    %dma_wait3A_737 = tpu.memref_squeeze %dma_wait3A_736 : memref<64x1x64xf32, #tpu.memory_space<vmem>> -> memref<64x64xf32, #tpu.memory_space<vmem>>
    %dma_wait3A_738 = arith.constant 0 : i32
    %dma_wait3A_739 = tpu.memref_slice %arg3[%min3A_3, %dma_wait3A_738] : memref<1000x64xf32, #tpu.memory_space<hbm>> -> memref<64x64xf32, #tpu.memory_space<hbm>>
    %dma_wait3A_740 = arith.constant 0 : i32
    %dma_wait3A_741 = arith.constant 0 : i32
    %dma_wait3A_742 = tpu.memref_slice %arg6[%dma_wait3A_740, %dma_wait3A, %dma_wait3A_741] : memref<64x1x64xf32, #tpu.memory_space<vmem>> -> memref<64x1x64xf32, #tpu.memory_space<vmem>>
    %dma_wait3A_743 = tpu.memref_squeeze %dma_wait3A_742 : memref<64x1x64xf32, #tpu.memory_space<vmem>> -> memref<64x64xf32, #tpu.memory_space<vmem>>
    %dma_wait3A_744 = arith.constant 0 : i32
    %dma_wait3A_745 = tpu.memref_slice %arg3[%min3A_3, %dma_wait3A_744] : memref<1000x64xf32, #tpu.memory_space<hbm>> -> memref<64x64xf32, #tpu.memory_space<hbm>>
    tpu.wait_dma2 semaphore(%arg9 : memref<!tpu.dma_semaphore, #tpu.memory_space<semaphore_mem>>) src(%dma_wait3A_745 : memref<64x64xf32, #tpu.memory_space<hbm>>) dst(%dma_wait3A_743 : memref<64x64xf32, #tpu.memory_space<vmem>>)
    %dma_start3A_746 = arith.constant 4 : i32
    %dma_start3A_747 = arith.constant 0 : i32
    %dma_start3A_748 = tpu.memref_slice %arg4[%min3A_3, %dma_start3A_746, %dma_start3A_747] : memref<1000x5x64xf32, #tpu.memory_space<hbm>> -> memref<64x1x64xf32, #tpu.memory_space<hbm>>
    %dma_start3A_749 = arith.constant 4 : i32
    %dma_start3A_750 = arith.constant 0 : i32
    %dma_start3A_751 = tpu.memref_slice %arg4[%min3A_3, %dma_start3A_749, %dma_start3A_750] : memref<1000x5x64xf32, #tpu.memory_space<hbm>> -> memref<64x1x64xf32, #tpu.memory_space<hbm>>
    tpu.enqueue_dma source(%arg6 : memref<64x1x64xf32, #tpu.memory_space<vmem>>) target(%dma_start3A_751 : memref<64x1x64xf32, #tpu.memory_space<hbm>>) target_semaphore(%arg10 : memref<!tpu.dma_semaphore, #tpu.memory_space<semaphore_mem>>)
    %dma_wait3A_752 = arith.constant 0 : i32
    %dma_wait3A_753 = arith.constant 0 : i32
    %dma_wait3A_754 = tpu.memref_slice %arg4[%add3A_607, %dma_wait3A_752, %dma_wait3A_753] : memref<1000x5x64xf32, #tpu.memory_space<hbm>> -> memref<4x4x64xf32, #tpu.memory_space<hbm>>
    %dma_wait3A_755 = arith.constant 0 : i32
    %dma_wait3A_756 = arith.constant 0 : i32
    %dma_wait3A_757 = tpu.memref_slice %arg4[%add3A_607, %dma_wait3A_755, %dma_wait3A_756] : memref<1000x5x64xf32, #tpu.memory_space<hbm>> -> memref<4x4x64xf32, #tpu.memory_space<hbm>>
    tpu.wait_dma2 semaphore(%arg10 : memref<!tpu.dma_semaphore, #tpu.memory_space<semaphore_mem>>) src(%arg7 : memref<4x4x64xf32, #tpu.memory_space<vmem>>) dst(%dma_wait3A_757 : memref<4x4x64xf32, #tpu.memory_space<hbm>>)
    %dma_wait3A_758 = arith.constant 0 : i32
    %dma_wait3A_759 = arith.constant 0 : i32
    %dma_wait3A_760 = tpu.memref_slice %arg4[%add3A_615, %dma_wait3A_758, %dma_wait3A_759] : memref<1000x5x64xf32, #tpu.memory_space<hbm>> -> memref<4x4x64xf32, #tpu.memory_space<hbm>>
    %dma_wait3A_761 = arith.constant 0 : i32
    %dma_wait3A_762 = arith.constant 0 : i32
    %dma_wait3A_763 = tpu.memref_slice %arg4[%add3A_615, %dma_wait3A_761, %dma_wait3A_762] : memref<1000x5x64xf32, #tpu.memory_space<hbm>> -> memref<4x4x64xf32, #tpu.memory_space<hbm>>
    tpu.wait_dma2 semaphore(%arg10 : memref<!tpu.dma_semaphore, #tpu.memory_space<semaphore_mem>>) src(%arg7 : memref<4x4x64xf32, #tpu.memory_space<vmem>>) dst(%dma_wait3A_763 : memref<4x4x64xf32, #tpu.memory_space<hbm>>)
    %dma_wait3A_764 = arith.constant 0 : i32
    %dma_wait3A_765 = arith.constant 0 : i32
    %dma_wait3A_766 = tpu.memref_slice %arg4[%add3A_623, %dma_wait3A_764, %dma_wait3A_765] : memref<1000x5x64xf32, #tpu.memory_space<hbm>> -> memref<4x4x64xf32, #tpu.memory_space<hbm>>
    %dma_wait3A_767 = arith.constant 0 : i32
    %dma_wait3A_768 = arith.constant 0 : i32
    %dma_wait3A_769 = tpu.memref_slice %arg4[%add3A_623, %dma_wait3A_767, %dma_wait3A_768] : memref<1000x5x64xf32, #tpu.memory_space<hbm>> -> memref<4x4x64xf32, #tpu.memory_space<hbm>>
    tpu.wait_dma2 semaphore(%arg10 : memref<!tpu.dma_semaphore, #tpu.memory_space<semaphore_mem>>) src(%arg7 : memref<4x4x64xf32, #tpu.memory_space<vmem>>) dst(%dma_wait3A_769 : memref<4x4x64xf32, #tpu.memory_space<hbm>>)
    %dma_wait3A_770 = arith.constant 0 : i32
    %dma_wait3A_771 = arith.constant 0 : i32
    %dma_wait3A_772 = tpu.memref_slice %arg4[%add3A_631, %dma_wait3A_770, %dma_wait3A_771] : memref<1000x5x64xf32, #tpu.memory_space<hbm>> -> memref<4x4x64xf32, #tpu.memory_space<hbm>>
    %dma_wait3A_773 = arith.constant 0 : i32
    %dma_wait3A_774 = arith.constant 0 : i32
    %dma_wait3A_775 = tpu.memref_slice %arg4[%add3A_631, %dma_wait3A_773, %dma_wait3A_774] : memref<1000x5x64xf32, #tpu.memory_space<hbm>> -> memref<4x4x64xf32, #tpu.memory_space<hbm>>
    tpu.wait_dma2 semaphore(%arg10 : memref<!tpu.dma_semaphore, #tpu.memory_space<semaphore_mem>>) src(%arg7 : memref<4x4x64xf32, #tpu.memory_space<vmem>>) dst(%dma_wait3A_775 : memref<4x4x64xf32, #tpu.memory_space<hbm>>)
    %dma_wait3A_776 = arith.constant 0 : i32
    %dma_wait3A_777 = arith.constant 0 : i32
    %dma_wait3A_778 = tpu.memref_slice %arg4[%add3A_639, %dma_wait3A_776, %dma_wait3A_777] : memref<1000x5x64xf32, #tpu.memory_space<hbm>> -> memref<4x4x64xf32, #tpu.memory_space<hbm>>
    %dma_wait3A_779 = arith.constant 0 : i32
    %dma_wait3A_780 = arith.constant 0 : i32
    %dma_wait3A_781 = tpu.memref_slice %arg4[%add3A_639, %dma_wait3A_779, %dma_wait3A_780] : memref<1000x5x64xf32, #tpu.memory_space<hbm>> -> memref<4x4x64xf32, #tpu.memory_space<hbm>>
    tpu.wait_dma2 semaphore(%arg10 : memref<!tpu.dma_semaphore, #tpu.memory_space<semaphore_mem>>) src(%arg7 : memref<4x4x64xf32, #tpu.memory_space<vmem>>) dst(%dma_wait3A_781 : memref<4x4x64xf32, #tpu.memory_space<hbm>>)
    %dma_wait3A_782 = arith.constant 0 : i32
    %dma_wait3A_783 = arith.constant 0 : i32
    %dma_wait3A_784 = tpu.memref_slice %arg4[%add3A_647, %dma_wait3A_782, %dma_wait3A_783] : memref<1000x5x64xf32, #tpu.memory_space<hbm>> -> memref<4x4x64xf32, #tpu.memory_space<hbm>>
    %dma_wait3A_785 = arith.constant 0 : i32
    %dma_wait3A_786 = arith.constant 0 : i32
    %dma_wait3A_787 = tpu.memref_slice %arg4[%add3A_647, %dma_wait3A_785, %dma_wait3A_786] : memref<1000x5x64xf32, #tpu.memory_space<hbm>> -> memref<4x4x64xf32, #tpu.memory_space<hbm>>
    tpu.wait_dma2 semaphore(%arg10 : memref<!tpu.dma_semaphore, #tpu.memory_space<semaphore_mem>>) src(%arg7 : memref<4x4x64xf32, #tpu.memory_space<vmem>>) dst(%dma_wait3A_787 : memref<4x4x64xf32, #tpu.memory_space<hbm>>)
    %dma_wait3A_788 = arith.constant 0 : i32
    %dma_wait3A_789 = arith.constant 0 : i32
    %dma_wait3A_790 = tpu.memref_slice %arg4[%add3A_655, %dma_wait3A_788, %dma_wait3A_789] : memref<1000x5x64xf32, #tpu.memory_space<hbm>> -> memref<4x4x64xf32, #tpu.memory_space<hbm>>
    %dma_wait3A_791 = arith.constant 0 : i32
    %dma_wait3A_792 = arith.constant 0 : i32
    %dma_wait3A_793 = tpu.memref_slice %arg4[%add3A_655, %dma_wait3A_791, %dma_wait3A_792] : memref<1000x5x64xf32, #tpu.memory_space<hbm>> -> memref<4x4x64xf32, #tpu.memory_space<hbm>>
    tpu.wait_dma2 semaphore(%arg10 : memref<!tpu.dma_semaphore, #tpu.memory_space<semaphore_mem>>) src(%arg7 : memref<4x4x64xf32, #tpu.memory_space<vmem>>) dst(%dma_wait3A_793 : memref<4x4x64xf32, #tpu.memory_space<hbm>>)
    %dma_wait3A_794 = arith.constant 0 : i32
    %dma_wait3A_795 = arith.constant 0 : i32
    %dma_wait3A_796 = tpu.memref_slice %arg4[%add3A_663, %dma_wait3A_794, %dma_wait3A_795] : memref<1000x5x64xf32, #tpu.memory_space<hbm>> -> memref<4x4x64xf32, #tpu.memory_space<hbm>>
    %dma_wait3A_797 = arith.constant 0 : i32
    %dma_wait3A_798 = arith.constant 0 : i32
    %dma_wait3A_799 = tpu.memref_slice %arg4[%add3A_663, %dma_wait3A_797, %dma_wait3A_798] : memref<1000x5x64xf32, #tpu.memory_space<hbm>> -> memref<4x4x64xf32, #tpu.memory_space<hbm>>
    tpu.wait_dma2 semaphore(%arg10 : memref<!tpu.dma_semaphore, #tpu.memory_space<semaphore_mem>>) src(%arg7 : memref<4x4x64xf32, #tpu.memory_space<vmem>>) dst(%dma_wait3A_799 : memref<4x4x64xf32, #tpu.memory_space<hbm>>)
    %dma_wait3A_800 = arith.constant 0 : i32
    %dma_wait3A_801 = arith.constant 0 : i32
    %dma_wait3A_802 = tpu.memref_slice %arg4[%add3A_671, %dma_wait3A_800, %dma_wait3A_801] : memref<1000x5x64xf32, #tpu.memory_space<hbm>> -> memref<4x4x64xf32, #tpu.memory_space<hbm>>
    %dma_wait3A_803 = arith.constant 0 : i32
    %dma_wait3A_804 = arith.constant 0 : i32
    %dma_wait3A_805 = tpu.memref_slice %arg4[%add3A_671, %dma_wait3A_803, %dma_wait3A_804] : memref<1000x5x64xf32, #tpu.memory_space<hbm>> -> memref<4x4x64xf32, #tpu.memory_space<hbm>>
    tpu.wait_dma2 semaphore(%arg10 : memref<!tpu.dma_semaphore, #tpu.memory_space<semaphore_mem>>) src(%arg7 : memref<4x4x64xf32, #tpu.memory_space<vmem>>) dst(%dma_wait3A_805 : memref<4x4x64xf32, #tpu.memory_space<hbm>>)
    %dma_wait3A_806 = arith.constant 0 : i32
    %dma_wait3A_807 = arith.constant 0 : i32
    %dma_wait3A_808 = tpu.memref_slice %arg4[%add3A_679, %dma_wait3A_806, %dma_wait3A_807] : memref<1000x5x64xf32, #tpu.memory_space<hbm>> -> memref<4x4x64xf32, #tpu.memory_space<hbm>>
    %dma_wait3A_809 = arith.constant 0 : i32
    %dma_wait3A_810 = arith.constant 0 : i32
    %dma_wait3A_811 = tpu.memref_slice %arg4[%add3A_679, %dma_wait3A_809, %dma_wait3A_810] : memref<1000x5x64xf32, #tpu.memory_space<hbm>> -> memref<4x4x64xf32, #tpu.memory_space<hbm>>
    tpu.wait_dma2 semaphore(%arg10 : memref<!tpu.dma_semaphore, #tpu.memory_space<semaphore_mem>>) src(%arg7 : memref<4x4x64xf32, #tpu.memory_space<vmem>>) dst(%dma_wait3A_811 : memref<4x4x64xf32, #tpu.memory_space<hbm>>)
    %dma_wait3A_812 = arith.constant 0 : i32
    %dma_wait3A_813 = arith.constant 0 : i32
    %dma_wait3A_814 = tpu.memref_slice %arg4[%add3A_687, %dma_wait3A_812, %dma_wait3A_813] : memref<1000x5x64xf32, #tpu.memory_space<hbm>> -> memref<4x4x64xf32, #tpu.memory_space<hbm>>
    %dma_wait3A_815 = arith.constant 0 : i32
    %dma_wait3A_816 = arith.constant 0 : i32
    %dma_wait3A_817 = tpu.memref_slice %arg4[%add3A_687, %dma_wait3A_815, %dma_wait3A_816] : memref<1000x5x64xf32, #tpu.memory_space<hbm>> -> memref<4x4x64xf32, #tpu.memory_space<hbm>>
    tpu.wait_dma2 semaphore(%arg10 : memref<!tpu.dma_semaphore, #tpu.memory_space<semaphore_mem>>) src(%arg7 : memref<4x4x64xf32, #tpu.memory_space<vmem>>) dst(%dma_wait3A_817 : memref<4x4x64xf32, #tpu.memory_space<hbm>>)
    %dma_wait3A_818 = arith.constant 0 : i32
    %dma_wait3A_819 = arith.constant 0 : i32
    %dma_wait3A_820 = tpu.memref_slice %arg4[%add3A_695, %dma_wait3A_818, %dma_wait3A_819] : memref<1000x5x64xf32, #tpu.memory_space<hbm>> -> memref<4x4x64xf32, #tpu.memory_space<hbm>>
    %dma_wait3A_821 = arith.constant 0 : i32
    %dma_wait3A_822 = arith.constant 0 : i32
    %dma_wait3A_823 = tpu.memref_slice %arg4[%add3A_695, %dma_wait3A_821, %dma_wait3A_822] : memref<1000x5x64xf32, #tpu.memory_space<hbm>> -> memref<4x4x64xf32, #tpu.memory_space<hbm>>
    tpu.wait_dma2 semaphore(%arg10 : memref<!tpu.dma_semaphore, #tpu.memory_space<semaphore_mem>>) src(%arg7 : memref<4x4x64xf32, #tpu.memory_space<vmem>>) dst(%dma_wait3A_823 : memref<4x4x64xf32, #tpu.memory_space<hbm>>)
    %dma_wait3A_824 = arith.constant 0 : i32
    %dma_wait3A_825 = arith.constant 0 : i32
    %dma_wait3A_826 = tpu.memref_slice %arg4[%add3A_703, %dma_wait3A_824, %dma_wait3A_825] : memref<1000x5x64xf32, #tpu.memory_space<hbm>> -> memref<4x4x64xf32, #tpu.memory_space<hbm>>
    %dma_wait3A_827 = arith.constant 0 : i32
    %dma_wait3A_828 = arith.constant 0 : i32
    %dma_wait3A_829 = tpu.memref_slice %arg4[%add3A_703, %dma_wait3A_827, %dma_wait3A_828] : memref<1000x5x64xf32, #tpu.memory_space<hbm>> -> memref<4x4x64xf32, #tpu.memory_space<hbm>>
    tpu.wait_dma2 semaphore(%arg10 : memref<!tpu.dma_semaphore, #tpu.memory_space<semaphore_mem>>) src(%arg7 : memref<4x4x64xf32, #tpu.memory_space<vmem>>) dst(%dma_wait3A_829 : memref<4x4x64xf32, #tpu.memory_space<hbm>>)
    %dma_wait3A_830 = arith.constant 0 : i32
    %dma_wait3A_831 = arith.constant 0 : i32
    %dma_wait3A_832 = tpu.memref_slice %arg4[%add3A_711, %dma_wait3A_830, %dma_wait3A_831] : memref<1000x5x64xf32, #tpu.memory_space<hbm>> -> memref<4x4x64xf32, #tpu.memory_space<hbm>>
    %dma_wait3A_833 = arith.constant 0 : i32
    %dma_wait3A_834 = arith.constant 0 : i32
    %dma_wait3A_835 = tpu.memref_slice %arg4[%add3A_711, %dma_wait3A_833, %dma_wait3A_834] : memref<1000x5x64xf32, #tpu.memory_space<hbm>> -> memref<4x4x64xf32, #tpu.memory_space<hbm>>
    tpu.wait_dma2 semaphore(%arg10 : memref<!tpu.dma_semaphore, #tpu.memory_space<semaphore_mem>>) src(%arg7 : memref<4x4x64xf32, #tpu.memory_space<vmem>>) dst(%dma_wait3A_835 : memref<4x4x64xf32, #tpu.memory_space<hbm>>)
    %dma_wait3A_836 = arith.constant 0 : i32
    %dma_wait3A_837 = arith.constant 0 : i32
    %dma_wait3A_838 = tpu.memref_slice %arg4[%add3A_719, %dma_wait3A_836, %dma_wait3A_837] : memref<1000x5x64xf32, #tpu.memory_space<hbm>> -> memref<4x4x64xf32, #tpu.memory_space<hbm>>
    %dma_wait3A_839 = arith.constant 0 : i32
    %dma_wait3A_840 = arith.constant 0 : i32
    %dma_wait3A_841 = tpu.memref_slice %arg4[%add3A_719, %dma_wait3A_839, %dma_wait3A_840] : memref<1000x5x64xf32, #tpu.memory_space<hbm>> -> memref<4x4x64xf32, #tpu.memory_space<hbm>>
    tpu.wait_dma2 semaphore(%arg10 : memref<!tpu.dma_semaphore, #tpu.memory_space<semaphore_mem>>) src(%arg7 : memref<4x4x64xf32, #tpu.memory_space<vmem>>) dst(%dma_wait3A_841 : memref<4x4x64xf32, #tpu.memory_space<hbm>>)
    %dma_wait3A_842 = arith.constant 0 : i32
    %dma_wait3A_843 = arith.constant 0 : i32
    %dma_wait3A_844 = tpu.memref_slice %arg4[%add3A_727, %dma_wait3A_842, %dma_wait3A_843] : memref<1000x5x64xf32, #tpu.memory_space<hbm>> -> memref<4x4x64xf32, #tpu.memory_space<hbm>>
    %dma_wait3A_845 = arith.constant 0 : i32
    %dma_wait3A_846 = arith.constant 0 : i32
    %dma_wait3A_847 = tpu.memref_slice %arg4[%add3A_727, %dma_wait3A_845, %dma_wait3A_846] : memref<1000x5x64xf32, #tpu.memory_space<hbm>> -> memref<4x4x64xf32, #tpu.memory_space<hbm>>
    tpu.wait_dma2 semaphore(%arg10 : memref<!tpu.dma_semaphore, #tpu.memory_space<semaphore_mem>>) src(%arg7 : memref<4x4x64xf32, #tpu.memory_space<vmem>>) dst(%dma_wait3A_847 : memref<4x4x64xf32, #tpu.memory_space<hbm>>)
    %dma_wait3A_848 = arith.constant 4 : i32
    %dma_wait3A_849 = arith.constant 0 : i32
    %dma_wait3A_850 = tpu.memref_slice %arg4[%min3A_3, %dma_wait3A_848, %dma_wait3A_849] : memref<1000x5x64xf32, #tpu.memory_space<hbm>> -> memref<64x1x64xf32, #tpu.memory_space<hbm>>
    %dma_wait3A_851 = arith.constant 4 : i32
    %dma_wait3A_852 = arith.constant 0 : i32
    %dma_wait3A_853 = tpu.memref_slice %arg4[%min3A_3, %dma_wait3A_851, %dma_wait3A_852] : memref<1000x5x64xf32, #tpu.memory_space<hbm>> -> memref<64x1x64xf32, #tpu.memory_space<hbm>>
    tpu.wait_dma2 semaphore(%arg10 : memref<!tpu.dma_semaphore, #tpu.memory_space<semaphore_mem>>) src(%arg6 : memref<64x1x64xf32, #tpu.memory_space<vmem>>) dst(%dma_wait3A_853 : memref<64x1x64xf32, #tpu.memory_space<hbm>>)
    return
  }
}

</mosaic_0001>

<sc_bundles>
// kernel: kernel.3.cloned.1.call-start
scs
__scs_entry_jumppad:
0x0: {  	(pc) =	sbr.rel $0x88, $3  }
0x1: {  	(tag) =	ssettag $0x0;
	lr =	simm.s32 $0x1  }
0x2: {  	[smem:$0x3F9F] =	sst lr;
	_ =	strace $0xD0000000  }
0x3: {  	_ = 	snop  }
0x4: {  	_ = 	snop  }
0x5: {  	_ = 	snop  }
0x6: {  	_ = 	snop  }
0x7: {  	_ = 	snop  }
__scs_overlays_trampoline_lowered:
0x8: {  	[smem:$0x3FAE] =	sst s0  }
0x9: {  	[smem:$0x3FAF] =	sst s1  }
0xa: {  	[smem:$0x3FB0] =	sst s2  }
0xb: {  	[smem:$0x3FB1] =	sst s3  }
0xc: {  	[smem:$0x3FB2] =	sst s4  }
0xd: {  	[smem:$0x3FB3] =	sst s5  }
0xe: {  	[smem:$0x3FB4] =	sst s6  }
0xf: {  	[smem:$0x3FB5] =	sst s7  }
0x10: {  	[smem:$0x3FB6] =	sst s8  }
0x11: {  	[smem:$0x3FB7] =	sst s9;
	s0 =	simm.s32 @!p0 $0x0  }
0x12: {  	s1 =	sld [smem:$0x3F9D];
	s0 =	simm.s32 @p0 $0x1  }
0x13: {  	[smem:$0x3FB8] =	sst s0;
	s0 =	simm.s32 @!p1 $0x0  }
0x14: {  	s2 =	sld [smem:$0x3F9C];
	s0 =	simm.s32 @p1 $0x1  }
0x15: {  	[smem:$0x3FB9] =	sst s0;
	s0 =	simm.s32 @!p2 $0x0  }
0x16: {  	s3 =	sld [smem:$0x3FDB];
	s0 =	simm.s32 @p2 $0x1  }
0x17: {  	s4 =	simm.s32 $0x1BF5;
	[smem:$0x3FBB] =	sst s0  }
0x18: {  	s0 =	sld [smem:$0x3F9E];
	_ =	swait.ge [sflag:s4], $0x0  }
0x19: {  	s7 =	sld [smem:$0x3F9F]  }
0x1a: {  	s8 =	sadd.s32 $0xFFFFE003, lr  }
0x1b: {  	s9 =	sadd.s32 $0xFFFFFEF7, lr;
	s5 =	simm.s32 $0xFFFFFFFF;
	p2 =	slt.u32 s8, $0xFFFFF086  }
0x1c: {  	p1 =	slt.u32 s9, $0xF7A;
	s5 =	simm.s32 @!p2 $0x0  }
0x1d: {  	s5 =	simm.s32 @p1 $0x1;
	p0 =	seq.s32 s7, s2  }
0x1e: {  	s7 =	smul.u32 @!p0 $0xF7A, s2;
	p2 =	seq.s32 @!p0 s5, $0x0  }
0x1f: {  	s9 =	smul.u32 $0xF7A, s1;
	s8 =	simm.s32 @!p0 $0x1BF5;
	p2 =	por !p2, p0  }
0x20: {  	[sflag:s8] =	ssyncset.s32 @!p0 $0xFFFFF086;
	s6 =	sadd.s32 @!p0 s3, s7;
	s7 =	simm.s32 @!p0 $0x108  }
0x21: {  	s3 =	sadd.s32 s3, s9;
	s6 =	sadd.s32 @!p0 $0x88, s6;
	s7 =	simm.s32 @p2 $0x1082  }
0x22: {  	[simem:s7], [sflag:s8] =	dma.local @!p0 [hbm:s6], $0xF7A  }
0x23: {  	s9 =	sor.u32 $0xD0000000, s2;
	s6 =	simm.s32 $0x108;
	_ =	swait.ge @!p0 [sflag:s8], $0x0  }
0x24: {  	s3 =	sadd.s32 $0x88, s3;
	s6 =	simm.s32 @!p1 $0x1082;
	[sflag:s4] =	ssyncset.s32 $0xFFFFF086  }
0x25: {  	[simem:s6], [sflag:s4] =	dma.local [hbm:s3], $0xF7A  }
0x26: {  	[smem:$0x3F9F] =	sst s1;
	(tag) =	ssettag s2;
	_ =	strace s9  }
0x27: {  	s1 =	sld [smem:$0x3FAF]  }
0x28: {  	s2 =	sld [smem:$0x3FB0]  }
0x29: {  	s4 =	sld [smem:$0x3FB2]  }
0x2a: {  	p0 =	seq.s32 s5, $0x0;
	s5 =	sld [smem:$0x3FB3]  }
0x2b: {  	s6 =	sld [smem:$0x3FB4]  }
0x2c: {  	s7 =	sld [smem:$0x3FB5]  }
0x2d: {  	s3 =	simm.s32 $0x108;
	s8 =	sld [smem:$0x3FB6]  }
0x2e: {  	s3 =	simm.s32 @!p0 $0x1082;
	s9 =	sld [smem:$0x3FB7]  }
0x2f: {  	lr =	sadd.s32 s0, s3;
	s0 =	sld [smem:$0x3FAE]  }
0x30: {  	s3 =	sld [smem:$0x3FB1]  }
0x31: {  	[smem:$0x3FBA] =	sst s10  }
0x32: {  	s10 =	sld [smem:$0x3FB8];
	_ =	sdelay $0x3  }
0x33: {  	p0 =	seq.s32 s10, $0x1;
	s10 =	sld [smem:$0x3FBA];
	_ =	sdelay $0x3  }
0x34: {  	[smem:$0x3FBA] =	sst s10  }
0x35: {  	s10 =	sld [smem:$0x3FB9];
	_ =	sdelay $0x3  }
0x36: {  	p1 =	seq.s32 s10, $0x1;
	s10 =	sld [smem:$0x3FBA];
	_ =	sdelay $0x3  }
0x37: {  	[smem:$0x3FBA] =	sst s10  }
0x38: {  	s10 =	sld [smem:$0x3FBB]  }
0x39: {  	_ = 	snop;
	(pc) =	sbr.ind lr, $3  }
0x3a: {  	_ = 	snop  }
0x3b: {  	_ = 	snop  }
0x3c: {  	p2 =	seq.s32 s10, $0x1;
	s10 =	sld [smem:$0x3FBA]  }
0x3d: {  	_ =	shalt  }
0x3e: {  	_ =	shalt  }
0x3f: {  	_ =	shalt  }
0x40: {  	_ =	shalt  }
0x41: {  	_ =	shalt  }
0x42: {  	_ =	shalt  }
0x43: {  	_ =	shalt  }
0x44: {  	_ =	shalt  }
0x45: {  	_ =	shalt  }
0x46: {  	_ =	shalt  }
0x47: {  	_ =	shalt  }
0x48: {  	_ =	shalt  }
0x49: {  	_ =	shalt  }
0x4a: {  	_ =	shalt  }
0x4b: {  	_ =	shalt  }
0x4c: {  	_ =	shalt  }
0x4d: {  	_ =	shalt  }
0x4e: {  	_ =	shalt  }
0x4f: {  	_ =	shalt  }
0x50: {  	_ =	shalt  }
0x51: {  	_ =	shalt  }
0x52: {  	_ =	shalt  }
0x53: {  	_ =	shalt  }
0x54: {  	_ =	shalt  }
0x55: {  	_ =	shalt  }
0x56: {  	_ =	shalt  }
0x57: {  	_ =	shalt  }
0x58: {  	_ =	shalt  }
0x59: {  	_ =	shalt  }
0x5a: {  	_ =	shalt  }
0x5b: {  	_ =	shalt  }
0x5c: {  	_ =	shalt  }
0x5d: {  	_ =	shalt  }
0x5e: {  	_ =	shalt  }
0x5f: {  	_ =	shalt  }
0x60: {  	_ =	shalt  }
0x61: {  	_ =	shalt  }
0x62: {  	_ =	shalt  }
0x63: {  	_ =	shalt  }
0x64: {  	_ =	shalt  }
0x65: {  	_ =	shalt  }
0x66: {  	_ =	shalt  }
0x67: {  	_ =	shalt  }
0x68: {  	_ =	shalt  }
0x69: {  	_ =	shalt  }
0x6a: {  	_ =	shalt  }
0x6b: {  	_ =	shalt  }
0x6c: {  	_ =	shalt  }
0x6d: {  	_ =	shalt  }
0x6e: {  	_ =	shalt  }
0x6f: {  	_ =	shalt  }
0x70: {  	_ =	shalt  }
0x71: {  	_ =	shalt  }
0x72: {  	_ =	shalt  }
0x73: {  	_ =	shalt  }
0x74: {  	_ =	shalt  }
0x75: {  	_ =	shalt  }
0x76: {  	_ =	shalt  }
0x77: {  	_ =	shalt  }
0x78: {  	_ =	shalt  }
0x79: {  	_ =	shalt  }
0x7a: {  	_ =	shalt  }
0x7b: {  	_ =	shalt  }
0x7c: {  	_ =	shalt  }
0x7d: {  	_ =	shalt  }
0x7e: {  	_ =	shalt  }
0x7f: {  	_ =	shalt  }
0x80: {  	_ =	shalt  }
0x81: {  	_ =	shalt  }
0x82: {  	_ =	shalt  }
0x83: {  	_ =	shalt  }
0x84: {  	_ =	shalt  }
0x85: {  	_ =	shalt  }
0x86: {  	_ =	shalt  }
0x87: {  	_ =	shalt  }
.Lfunc_end0:
.L_simem_size_0:
called_computation_lowered:
.L_overlay_start_0:
0x88: {  	s0 =	sld [smem:$0x3FD9]  }
0x89: {  	s1 =	sld [smem:$0x3FFE];
	_ =	sdelay $0x3  }
0x8a: {  	s0 =	sadd.s32 s1, s0  }
0x8b: {  	[smem:$0x3FC6] =	sst s0  }
0x8c: {  	_ = 	snop  }
0x8d: {  	s0 =	sld [smem:$0x3FC9]  }
0x8e: {  	s16 =	sld [smem:$0x3FD0];
	(tm) =	ssettm $0x1  }
0x8f: {  	s2 =	sld [smem:$0x3FFB];
	_ =	sdelay $0x3  }
0x90: {  	_ =	strace s2  }
0x91: {  	s2 =	sld [smem:$0x3FFC];
	_ =	sdelay $0x3  }
0x92: {  	_ =	strace s2  }
0x93: {  	s2 =	sld [smem:$0x3FFD];
	_ =	sdelay $0x3  }
0x94: {  	_ =	strace s2  }
0x95: {  	_ =	strace $0x8FFFFFFF  }
0x96: {  	s17 =	sld [smem:$0x3FDB];
	_ =	sdelay $0x1  }
0x97: {  	s3 =	simm.s32 $_scs_section_size  }
0x98: {  	s4 =	simm.s32 $_size__tile_overlayer_lowered;
	s5 =	simm.s32 $_tile_overlayer_lowered  }
0x99: {  	s20 =	simm.s32 $0x1BFF;
	s19 =	sshll.u32 s5, $0x1;
	s2 =	sadd.s32 s3, s17  }
0x9a: {  	s6 =	simm.s32 $0x0;
	s18 =	sshll.u32 s4, $0x1;
	s4 =	sadd.s32 s19, s2  }
0x9b: {  	[timem:s6], [sflag:s20] =	dma.local [hbm:s4], s18  }
0x9c: {  	_ =	swait.ge [sflag:s20], s18  }
0x9d: {  	s3 =	ssub.s32 $0x0, s18;
	[sflag:s20] =	ssyncset.done $0x0  }
0x9e: {  	[sflag:s20] =	ssyncadd.s32 s3;
	_ =	sdelay $0x1  }
0x9f: {  	s21 =	simm.s32 $0x1B8B  }
0xa0: {  	_ =	swait.ge [sflag:s21], $0x1  }
0xa1: {  	[sflag:s21] =	ssyncset.done $0x0  }
0xa2: {  	s23 =	simm.s32 $0x1B8E;
	s22 =	sld [smem:$0x3FFE];
	[sflag:s21] =	ssyncadd.s32 $0xFFFFFFFF  }
0xa3: {  	s24 =	simm.s32 $execute0_lowered;
	[smem:$0x3FD2] =	sst s23  }
0xa4: {  	s4 =	sshll.u32 s24, $0x1;
	_ =	strace $0x80000046;
	[dreg:$0x1] =	wrdreg $0xFFFFFFFF  }
0xa5: {  	s25 =	simm.s32 $_size_execute0_lowered;
	s2 =	sadd.s32 s2, s4;
	[dreg:$0x0] =	wrdreg $0x0  }
0xa6: {  	s4 =	sshll.u32 s25, $0x1;
	[dreg:$0x2] =	wrdreg s2  }
0xa7: {  	[dreg:$0x3] =	wrdreg s4  }
0xa8: {  	[dreg:$0x4] =	wrdreg $0xC0  }
0xa9: {  	_ =	task [dreg:s6], $0x5FFFF  }
0xaa: {  	[dreg:$0x1] =	wrdreg $0xFFFFFFFF  }
0xab: {  	[dreg:$0x0] =	wrdreg $0x60  }
0xac: {  	[dreg:$0x2] =	wrdreg s0  }
0xad: {  	[dreg:$0x3] =	wrdreg s16  }
0xae: {  	[dreg:$0x4] =	wrdreg s22  }
0xaf: {  	[dreg:$0x5] =	wrdreg $0x9  }
0xb0: {  	_ =	task.clear_ibuf [dreg:s6], $0x6FFFF;
	_ =	strace $0x90000046  }
0xb1: {  	s26 =	simm.s32 $0x9;
	_ =	strace $0x80000048  }
0xb2: {  	_ =	swait.ge [sflag:s26], $0x1  }
0xb3: {  	[sflag:s26] =	ssyncadd.s32 $0xFFFFFFFF  }
0xb4: {  	_ =	strace $0x90000048  }
0xb5: {  	_ =	sfence  }
0xb6: {  	s28 =	sld [smem:$0x0];
	_ =	sdelay $0x1  }
0xb7: {  	s29 =	srdreg.scid  }
0xb8: {  	s30 =	sshll.u32 s29, $0xD;
	s31 =	sshrl.u32 s29, $0x2  }
0xb9: {  	s1 =	sand.u32 $0x1, s29;
	s2 =	sand.u32 $0x4000, s30;
	s0 =	sadd.s32 s31, s28  }
0xba: {  	s1 =	sor.u32 s2, s1;
	s0 =	sshll.u32 s0, $0x11  }
0xbb: {  	s0 =	sor.u32 s0, s1  }
0xbc: {  	s0 =	sadd.s32 $0x8F2B, s0  }
0xbd: {  	[sflag:s0] =	ssyncadd.remote.s32 $0x1  }
0xbe: {  	_ =	sfence.sel $0xFFFF  }
0xbf: {  	[dreg:$0x0] =	wrdreg $0xFFFFFFFF;
	(pc) =	sbr.abs _section_cstart, $3  }
0xc0: {  	[dreg:$0x1] =	wrdreg $0xFFFFFFFF  }
0xc1: {  	_ =	task.clear_ibuf [dreg:s6], $0x2FFFF;
	_ =	strace $0x9FFFFFFF  }
0xc2: {  	(tm) =	ssettm $0x7FFFFFFF  }
0xc3: {  	_ =	shalt  }
tec
execute0_lowered:
.L_overlay_start_1:
0x0: {  	(tag) =	ssettag $0x1  }
0x1: {  	s2 =	rddreg [dreg:$0x0]  }
0x2: {  	s5 =	rddreg [dreg:$0x1];
	s1 =	stileid.u32  }
0x3: {  	s3 =	rddreg [dreg:$0x2];
	s6 =	simm.s32 $0x0;
	s4 =	sshll.u32 s1, $0x6  }
0x4: {  	[smem:$0x7FF] =	sst s6;
	s4 =	smin.u32 s4, $0x3A8  }
0x5: {  	s0 =	rddreg [dreg:$0x3];
	_ =	strace $0x80000047;
	s7 =	sshll.u32 s4, $0x4  }
0x6: {  	[tilespmem:s6], [sflag:$0x1] =	stream.linear.gather [hbm4b:s2+s6], $0x200, $0x38;
	[tilespmem:$0x2A00] =	vst v63  }
0x7: {  	s9 =	simm.s32 $0x200;
	s10 =	simm.s32 $0x1;
	s5 =	sadd.s32 s5, s7  }
0x8: {  	[tilespmem:s9], [sflag:$0x2] =	stream.linear.gather [hbm4b:s5+s6], $0x2000, $0x38;
	[tilespmem:$0x2A00] =	vst v63  }
0x9: {  	_ =	swait.ge [sflag:s10], $0x200  }
0xa: {  	[sflag:s10] =	ssyncset.done $0x0  }
0xb: {  	[sflag:s10] =	ssyncadd.s32 $0xFFFFFE00  }
0xc: {  	v0 =	vld [tilespmem:$0x0]  }
0xd: {  	v1 =	vld [tilespmem:$0x10]  }
0xe: {  	v2 =	vld [tilespmem:$0x20]  }
0xf: {  	v3 =	vld [tilespmem:$0x30]  }
0x10: {  	v4 =	vld [tilespmem:$0x80]  }
0x11: {  	v5 =	vld [tilespmem:$0x90];
	[tilespmem:$0x2200] =	vst v0  }
0x12: {  	v6 =	vld [tilespmem:$0xA0];
	[tilespmem:$0x2210] =	vst v1  }
0x13: {  	v7 =	vld [tilespmem:$0xB0];
	[tilespmem:$0x2220] =	vst v2  }
0x14: {  	v8 =	vld [tilespmem:$0x100];
	[tilespmem:$0x2230] =	vst v3  }
0x15: {  	v9 =	vld [tilespmem:$0x110];
	[tilespmem:$0x2280] =	vst v4  }
0x16: {  	v10 =	vld [tilespmem:$0x120];
	[tilespmem:$0x2290] =	vst v5  }
0x17: {  	v11 =	vld [tilespmem:$0x130];
	[tilespmem:$0x22A0] =	vst v6  }
0x18: {  	v12 =	vld [tilespmem:$0x180];
	[tilespmem:$0x22B0] =	vst v7  }
0x19: {  	v13 =	vld [tilespmem:$0x190];
	[tilespmem:$0x2300] =	vst v8  }
0x1a: {  	v14 =	vld [tilespmem:$0x1A0];
	[tilespmem:$0x2310] =	vst v9  }
0x1b: {  	v15 =	vld [tilespmem:$0x1B0];
	[tilespmem:$0x2320] =	vst v10  }
0x1c: {  	[tilespmem:$0x2330] =	vst v11  }
0x1d: {  	[tilespmem:$0x2380] =	vst v12  }
0x1e: {  	[tilespmem:$0x2390] =	vst v13  }
0x1f: {  	[tilespmem:$0x23A0] =	vst v14  }
0x20: {  	[tilespmem:$0x23B0] =	vst v15  }
0x21: {  	[tilespmem:$0x2400] =	vst v0  }
0x22: {  	[tilespmem:$0x2410] =	vst v1  }
0x23: {  	[tilespmem:$0x2420] =	vst v2  }
0x24: {  	[tilespmem:$0x2430] =	vst v3  }
0x25: {  	[tilespmem:$0x2480] =	vst v4  }
0x26: {  	[tilespmem:$0x2490] =	vst v5  }
0x27: {  	[tilespmem:$0x24A0] =	vst v6  }
0x28: {  	[tilespmem:$0x24B0] =	vst v7  }
0x29: {  	[tilespmem:$0x2500] =	vst v8  }
0x2a: {  	[tilespmem:$0x2510] =	vst v9  }
0x2b: {  	[tilespmem:$0x2520] =	vst v10  }
0x2c: {  	[tilespmem:$0x2530] =	vst v11  }
0x2d: {  	[tilespmem:$0x2580] =	vst v12  }
0x2e: {  	[tilespmem:$0x2590] =	vst v13  }
0x2f: {  	[tilespmem:$0x25A0] =	vst v14  }
0x30: {  	[tilespmem:$0x25B0] =	vst v15  }
0x31: {  	[tilespmem:$0x2600] =	vst v0  }
0x32: {  	[tilespmem:$0x2610] =	vst v1  }
0x33: {  	[tilespmem:$0x2620] =	vst v2  }
0x34: {  	[tilespmem:$0x2630] =	vst v3  }
0x35: {  	[tilespmem:$0x2680] =	vst v4  }
0x36: {  	[tilespmem:$0x2690] =	vst v5  }
0x37: {  	[tilespmem:$0x26A0] =	vst v6  }
0x38: {  	[tilespmem:$0x26B0] =	vst v7  }
0x39: {  	[tilespmem:$0x2700] =	vst v8  }
0x3a: {  	[tilespmem:$0x2710] =	vst v9  }
0x3b: {  	[tilespmem:$0x2720] =	vst v10  }
0x3c: {  	[tilespmem:$0x2730] =	vst v11  }
0x3d: {  	[tilespmem:$0x2780] =	vst v12  }
0x3e: {  	[tilespmem:$0x2790] =	vst v13  }
0x3f: {  	[tilespmem:$0x27A0] =	vst v14  }
0x40: {  	[tilespmem:$0x27B0] =	vst v15  }
0x41: {  	[tilespmem:$0x2800] =	vst v0  }
0x42: {  	[tilespmem:$0x2810] =	vst v1  }
0x43: {  	[tilespmem:$0x2820] =	vst v2  }
0x44: {  	[tilespmem:$0x2830] =	vst v3  }
0x45: {  	[tilespmem:$0x2880] =	vst v4  }
0x46: {  	[tilespmem:$0x2890] =	vst v5  }
0x47: {  	[tilespmem:$0x28A0] =	vst v6  }
0x48: {  	[tilespmem:$0x28B0] =	vst v7  }
0x49: {  	[tilespmem:$0x2900] =	vst v8  }
0x4a: {  	[tilespmem:$0x2910] =	vst v9  }
0x4b: {  	[tilespmem:$0x2920] =	vst v10  }
0x4c: {  	[tilespmem:$0x2930] =	vst v11  }
0x4d: {  	[tilespmem:$0x2980] =	vst v12  }
0x4e: {  	s4 =	sshll.u32 s4, $0x7;
	[tilespmem:$0x2990] =	vst v13  }
0x4f: {  	s3 =	sadd.s32 s4, s3;
	[tilespmem:$0x29A0] =	vst v14  }
0x50: {  	s11 =	simm.s32 $0x400;
	s12 =	simm.s32 $0x2200;
	s4 =	sadd.s32 $0x400, s3;
	[tilespmem:$0x29B0] =	vst v15  }
0x51: {  	[hbm4b:s4+s9] =	stream.strided.scatter [tilespmem:s12], [sflag:$0x3], $0x800, s11, s9, $0x38;
	[tilespmem:$0x2A00] =	vst v63  }
0x52: {  	s13 =	sadd.s32 $0x600, s3  }
0x53: {  	[hbm4b:s13+s9] =	stream.strided.scatter [tilespmem:s12], [sflag:$0x3], $0x800, s11, s9, $0x38;
	[tilespmem:$0x2A00] =	vst v63  }
0x54: {  	s14 =	sadd.s32 $0x800, s3  }
0x55: {  	[hbm4b:s14+s9] =	stream.strided.scatter [tilespmem:s12], [sflag:$0x3], $0x800, s11, s9, $0x38;
	[tilespmem:$0x2A00] =	vst v63  }
0x56: {  	s15 =	sadd.s32 $0xA00, s3  }
0x57: {  	[hbm4b:s15+s9] =	stream.strided.scatter [tilespmem:s12], [sflag:$0x3], $0x800, s11, s9, $0x38;
	[tilespmem:$0x2A00] =	vst v63  }
0x58: {  	s16 =	sadd.s32 $0xC00, s3  }
0x59: {  	[hbm4b:s16+s9] =	stream.strided.scatter [tilespmem:s12], [sflag:$0x3], $0x800, s11, s9, $0x38;
	[tilespmem:$0x2A00] =	vst v63  }
0x5a: {  	s17 =	sadd.s32 $0xE00, s3  }
0x5b: {  	[hbm4b:s17+s9] =	stream.strided.scatter [tilespmem:s12], [sflag:$0x3], $0x800, s11, s9, $0x38;
	[tilespmem:$0x2A00] =	vst v63  }
0x5c: {  	s18 =	sadd.s32 $0x1000, s3  }
0x5d: {  	[hbm4b:s18+s9] =	stream.strided.scatter [tilespmem:s12], [sflag:$0x3], $0x800, s11, s9, $0x38;
	[tilespmem:$0x2A00] =	vst v63  }
0x5e: {  	s19 =	sadd.s32 $0x1200, s3  }
0x5f: {  	[hbm4b:s19+s9] =	stream.strided.scatter [tilespmem:s12], [sflag:$0x3], $0x800, s11, s9, $0x38;
	[tilespmem:$0x2A00] =	vst v63  }
0x60: {  	s20 =	sadd.s32 $0x1400, s3  }
0x61: {  	[hbm4b:s20+s9] =	stream.strided.scatter [tilespmem:s12], [sflag:$0x3], $0x800, s11, s9, $0x38;
	[tilespmem:$0x2A00] =	vst v63  }
0x62: {  	s21 =	sadd.s32 $0x1600, s3  }
0x63: {  	[hbm4b:s21+s9] =	stream.strided.scatter [tilespmem:s12], [sflag:$0x3], $0x800, s11, s9, $0x38;
	[tilespmem:$0x2A00] =	vst v63  }
0x64: {  	s22 =	sadd.s32 $0x1800, s3  }
0x65: {  	[hbm4b:s22+s9] =	stream.strided.scatter [tilespmem:s12], [sflag:$0x3], $0x800, s11, s9, $0x38;
	[tilespmem:$0x2A00] =	vst v63  }
0x66: {  	s23 =	sadd.s32 $0x1A00, s3  }
0x67: {  	[hbm4b:s23+s9] =	stream.strided.scatter [tilespmem:s12], [sflag:$0x3], $0x800, s11, s9, $0x38;
	[tilespmem:$0x2A00] =	vst v63  }
0x68: {  	s24 =	sadd.s32 $0x1C00, s3  }
0x69: {  	[hbm4b:s24+s9] =	stream.strided.scatter [tilespmem:s12], [sflag:$0x3], $0x800, s11, s9, $0x38;
	[tilespmem:$0x2A00] =	vst v63  }
0x6a: {  	s25 =	sadd.s32 $0x1E00, s3  }
0x6b: {  	[hbm4b:s25+s9] =	stream.strided.scatter [tilespmem:s12], [sflag:$0x3], $0x800, s11, s9, $0x38;
	[tilespmem:$0x2A00] =	vst v63  }
0x6c: {  	s26 =	sadd.s32 $0x2000, s3  }
0x6d: {  	[hbm4b:s26+s9] =	stream.strided.scatter [tilespmem:s12], [sflag:$0x3], $0x800, s11, s9, $0x38;
	[tilespmem:$0x2A00] =	vst v63  }
0x6e: {  	s29 =	simm.s32 $0x2;
	s28 =	sadd.s32 $0x2200, s3  }
0x6f: {  	[hbm4b:s28+s9] =	stream.strided.scatter [tilespmem:s12], [sflag:$0x3], $0x800, s11, s9, $0x38;
	[tilespmem:$0x2A00] =	vst v63  }
0x70: {  	_ =	swait.ge [sflag:s29], $0x2000  }
0x71: {  	s30 =	simm.s32 $0x80;
	[sflag:s29] =	ssyncset.done $0x0  }
0x72: {  	s31 =	simm.s32 $0x3;
	s3 =	sadd.s32 $0x440, s3;
	[sflag:s29] =	ssyncadd.s32 $0xFFFFE000  }
0x73: {  	[hbm4b:s3+s30] =	stream.strided.scatter [tilespmem:s9], [sflag:$0x3], $0x2000, s11, s30, $0x38;
	[tilespmem:$0x2A00] =	vst v63  }
0x74: {  	_ =	swait.ge [sflag:s31], $0x800  }
0x75: {  	[sflag:s31] =	ssyncset.done $0x0  }
0x76: {  	[sflag:s31] =	ssyncadd.s32 $0xFFFFF800  }
0x77: {  	_ =	swait.ge [sflag:s31], $0x800  }
0x78: {  	[sflag:s31] =	ssyncset.done $0x0  }
0x79: {  	[sflag:s31] =	ssyncadd.s32 $0xFFFFF800  }
0x7a: {  	_ =	swait.ge [sflag:s31], $0x800  }
0x7b: {  	[sflag:s31] =	ssyncset.done $0x0  }
0x7c: {  	[sflag:s31] =	ssyncadd.s32 $0xFFFFF800  }
0x7d: {  	_ =	swait.ge [sflag:s31], $0x800  }
0x7e: {  	[sflag:s31] =	ssyncset.done $0x0  }
0x7f: {  	[sflag:s31] =	ssyncadd.s32 $0xFFFFF800  }
0x80: {  	_ =	swait.ge [sflag:s31], $0x800  }
0x81: {  	[sflag:s31] =	ssyncset.done $0x0  }
0x82: {  	[sflag:s31] =	ssyncadd.s32 $0xFFFFF800  }
0x83: {  	_ =	swait.ge [sflag:s31], $0x800  }
0x84: {  	[sflag:s31] =	ssyncset.done $0x0  }
0x85: {  	[sflag:s31] =	ssyncadd.s32 $0xFFFFF800  }
0x86: {  	_ =	swait.ge [sflag:s31], $0x800  }
0x87: {  	[sflag:s31] =	ssyncset.done $0x0  }
0x88: {  	[sflag:s31] =	ssyncadd.s32 $0xFFFFF800  }
0x89: {  	_ =	swait.ge [sflag:s31], $0x800  }
0x8a: {  	[sflag:s31] =	ssyncset.done $0x0  }
0x8b: {  	[sflag:s31] =	ssyncadd.s32 $0xFFFFF800  }
0x8c: {  	_ =	swait.ge [sflag:s31], $0x800  }
0x8d: {  	[sflag:s31] =	ssyncset.done $0x0  }
0x8e: {  	[sflag:s31] =	ssyncadd.s32 $0xFFFFF800  }
0x8f: {  	_ =	swait.ge [sflag:s31], $0x800  }
0x90: {  	[sflag:s31] =	ssyncset.done $0x0  }
0x91: {  	[sflag:s31] =	ssyncadd.s32 $0xFFFFF800  }
0x92: {  	_ =	swait.ge [sflag:s31], $0x800  }
0x93: {  	[sflag:s31] =	ssyncset.done $0x0  }
0x94: {  	[sflag:s31] =	ssyncadd.s32 $0xFFFFF800  }
0x95: {  	_ =	swait.ge [sflag:s31], $0x800  }
0x96: {  	[sflag:s31] =	ssyncset.done $0x0  }
0x97: {  	[sflag:s31] =	ssyncadd.s32 $0xFFFFF800  }
0x98: {  	_ =	swait.ge [sflag:s31], $0x800  }
0x99: {  	[sflag:s31] =	ssyncset.done $0x0  }
0x9a: {  	[sflag:s31] =	ssyncadd.s32 $0xFFFFF800  }
0x9b: {  	_ =	swait.ge [sflag:s31], $0x800  }
0x9c: {  	[sflag:s31] =	ssyncset.done $0x0  }
0x9d: {  	[sflag:s31] =	ssyncadd.s32 $0xFFFFF800  }
0x9e: {  	_ =	swait.ge [sflag:s31], $0x800  }
0x9f: {  	[sflag:s31] =	ssyncset.done $0x0  }
0xa0: {  	[sflag:s31] =	ssyncadd.s32 $0xFFFFF800  }
0xa1: {  	_ =	swait.ge [sflag:s31], $0x800  }
0xa2: {  	[sflag:s31] =	ssyncset.done $0x0  }
0xa3: {  	[sflag:s31] =	ssyncadd.s32 $0xFFFFF800  }
0xa4: {  	_ =	swait.ge [sflag:s31], $0x2000  }
0xa5: {  	[sflag:s31] =	ssyncset.done $0x0  }
0xa6: {  	[sflag:s31] =	ssyncadd.s32 $0xFFFFE000  }
0xa7: {  	_ =	sfence.sel $0x180000  }
0xa8: {  	[bflag:$0x0] =	sbarrier.arrive $0xFFFF  }
0xa9: {  	p0 =	sne.s32 s1, $0x0;
	_ =	strace $0x90000047  }
0xaa: {  	s0 =	sadd.s32 @!p0 $0x100000, s0;
	[bflag:$0x2] =	sbarrier.arrive $0xFFFF  }
0xab: {  	[sflag:s0] =	ssyncadd.tile.s32 @!p0 $0x1;
	_ =	shalt  }
.Lfunc_end2:
_tile_overlayer_lowered:
.L_overlay_start_2:
0xac: {  	(tag) =	ssettag $0x2  }
0xad: {  	s0 =	rddreg [dreg:$0x0];
	s2 =	stileid.u32  }
0xae: {  	s1 =	rddreg [dreg:$0x1];
	p0 =	sne.s32 s2, $0x0  }
0xaf: {  	s3 =	rddreg [dreg:$0x2];
	[bflag:$0x3] =	sbarrier.arrive $0xFFFF;
	s2 =	simm.s32 @!p0 $0x1C04  }
0xb0: {  	[timem:s3], [sflag:s2] =	dma.local @!p0 [hbm:s0], s1  }
0xb1: {  	s0 =	simm.s32 @!p0 $0x4  }
0xb2: {  	_ =	swait.ge @!p0 [sflag:s0], s1  }
0xb3: {  	s1 =	ssub.s32 @!p0 $0x0, s1;
	[sflag:s0] =	ssyncset.done @!p0 $0x0  }
0xb4: {  	[sflag:s0] =	ssyncadd.s32 @!p0 s1  }
0xb5: {  	[bflag:$0x3] =	sbarrier.arrive $0xFFFF  }
0xb6: {  	_ =	shalt  }

</sc_bundles>
